<compile_context>
chip_gen: v7x
topology: tpu7x:2x2x1
jax: 0.10.2.dev20260603
libtpu: 0.0.44.dev20260713+nightly
codegen_flags: <defaults>
</compile_context>

<pallas_src>
import functools

import jax
import jax.numpy as jnp
from jax import lax
from jax.experimental import pallas as pl
from jax.experimental.pallas import tpu as pltpu
from jax.experimental.pallas import tpu_sc as plsc

_M = 4


def _rot_reg_kernel(x_ref, rt_ref, r_ref, xr_ref, reg_ref):
    i = pl.program_id(0)
    m = pl.program_id(1)
    xr_ref[0] = jnp.dot(x_ref[...], rt_ref[0], preferred_element_type=jnp.float32)

    @pl.when((m == 0) & (i == 0))
    def _():
        r = r_ref[...]
        d = r.shape[0]
        rrt = lax.dot_general(r, r, (((1,), (1,)), ((), ())),
                              preferred_element_type=jnp.float32)
        eye = jnp.eye(d, dtype=jnp.float32)
        reg_ref[...] = (jnp.sum((rrt - eye) ** 2) / (d * d)).reshape(1, 1)


def _vq_kernel(xs_ref, cbt_ref, bias_ref, cba_ref, hilo_ref, codes_ref, soft_ref):
    xs = xs_ref[0]
    cbt = cbt_ref[0]
    cba = cba_ref[0]
    s = xs.shape[-1]
    logits = jnp.dot(xs, cbt, preferred_element_type=jnp.float32) + bias_ref[0, :1, :]
    mx = jnp.max(logits, axis=-1, keepdims=True)
    e = jnp.exp(logits - mx)
    acc = jnp.dot(e.astype(jnp.bfloat16), cba, preferred_element_type=jnp.float32)
    soft_ref[0] = acc[:, :s] / acc[:, s:s + 1]
    ohb = jnp.where(logits >= mx, 1.0, 0.0).astype(jnp.bfloat16)
    hilo = jnp.dot(ohb, hilo_ref[...], preferred_element_type=jnp.float32)
    amax = (hilo[:, 0] * 64.0 + hilo[:, 1]).astype(jnp.int32)
    codes_ref[0, 0] = amax


def _loss_kernel(xs_ref, soft_ref, hard_ref, reg_ref, out_ref, acc_ref):
    m = pl.program_id(0)
    n = pl.program_id(1)
    nm = pl.num_programs(0)
    nn = pl.num_programs(1)
    soft = soft_ref[0]
    s = soft.shape[-1]
    split = xs_ref[0][:, :s] * 0.5
    hard = hard_ref[0][:, :s]

    @pl.when((m == 0) & (n == 0))
    def _():
        acc_ref[0] = 0.0
        acc_ref[1] = 0.0
        acc_ref[2] = 0.0

    acc_ref[0] += jnp.sum((split - soft) ** 2)
    acc_ref[1] += jnp.sum((split - hard) ** 2)
    acc_ref[2] += jnp.sum((soft - hard) ** 2)

    @pl.when((m == nm - 1) & (n == nn - 1))
    def _():
        cnt = nn * split.shape[0] * split.shape[1]
        loss = (0.1 * acc_ref[0] + acc_ref[1] + 0.1 * acc_ref[2]) / cnt
        out_ref[...] = loss + 0.01 * reg_ref[...]


def _make_sc_gather(tot, s, n_rows, k_rows):
    info = plsc.get_sparse_core_info()
    nc, ns = info.num_cores, info.num_subcores
    nw = nc * ns
    items_pw = tot // nw
    ch = min(128, items_pw)
    nch = items_pw // ch
    mesh = plsc.VectorSubcoreMesh(core_axis_name="c", subcore_axis_name="s")

    @functools.partial(
        pl.kernel, mesh=mesh,
        out_type=jax.ShapeDtypeStruct((tot, s), jnp.float32),
        scratch_types=[
            pltpu.VMEM((ch,), jnp.int32),
            pltpu.VMEM((ch, s), jnp.float32),
            pltpu.SemaphoreType.DMA,
        ],
    )
    def k(codes_hbm, table_hbm, out_hbm, idx_v, rows_v, sem):
        wid = lax.axis_index("s") * nc + lax.axis_index("c")
        base = wid * items_pw
        moff = (base // n_rows) * k_rows
        for c in range(nch):
            off = base + c * ch
            pltpu.sync_copy(codes_hbm.at[pl.ds(off, ch)], idx_v)
            for v in range(ch // 16):
                sl = pl.ds(v * 16, 16)
                idx_v[sl] = idx_v[sl] + moff
            pltpu.async_copy(table_hbm.at[idx_v], rows_v, sem).wait()
            pltpu.sync_copy(rows_v, out_hbm.at[pl.ds(off, ch)])

    return k


def kernel(x, codebook0, codebook1, codebook2, codebook3, rotateMatrix):
    n, d = x.shape
    cbs = jnp.stack([codebook0, codebook1, codebook2, codebook3])
    m_, k, s = cbs.shape
    cbt = cbs.transpose(0, 2, 1)

    rt = rotateMatrix.reshape(d, m_, s).transpose(1, 0, 2) * 2.0
    bn1 = min(1024, n)
    xrs, reg = pl.pallas_call(
        _rot_reg_kernel,
        grid=(n // bn1, m_),
        in_specs=[
            pl.BlockSpec((bn1, d), lambda i, m: (i, 0)),
            pl.BlockSpec((1, d, s), lambda i, m: (m, 0, 0)),
            pl.BlockSpec((d, d), lambda i, m: (0, 0)),
        ],
        out_specs=[
            pl.BlockSpec((1, bn1, s), lambda i, m: (m, i, 0)),
            pl.BlockSpec((1, 1), lambda i, m: (0, 0)),
        ],
        out_shape=[
            jax.ShapeDtypeStruct((m_, n, s), jnp.float32),
            jax.ShapeDtypeStruct((1, 1), jnp.float32),
        ],
    )(x, rt, rotateMatrix)
    bias = jnp.broadcast_to(
        (-jnp.sum(cbs * cbs, axis=-1))[:, None, :], (m_, 8, k))
    ji = jnp.arange(k, dtype=jnp.int32)
    hilo_tab = jnp.stack([ji // 64, ji % 64], axis=1).astype(jnp.bfloat16)

    spad = 128
    cba = jnp.concatenate(
        [cbs.astype(jnp.bfloat16),
         jnp.ones((m_, k, 1), jnp.bfloat16),
         jnp.zeros((m_, k, spad - s - 1), jnp.bfloat16)], axis=2)
    bn = min(256, n)
    codes, soft = pl.pallas_call(
        _vq_kernel,
        grid=(m_, n // bn),
        in_specs=[
            pl.BlockSpec((1, bn, s), lambda m, i: (m, i, 0)),
            pl.BlockSpec((1, s, k), lambda m, i: (m, 0, 0)),
            pl.BlockSpec((1, 8, k), lambda m, i: (m, 0, 0)),
            pl.BlockSpec((1, k, spad), lambda m, i: (m, 0, 0)),
            pl.BlockSpec((k, 2), lambda m, i: (0, 0)),
        ],
        out_specs=[
            pl.BlockSpec((1, 1, bn), lambda m, i: (m, 0, i)),
            pl.BlockSpec((1, bn, s), lambda m, i: (m, i, 0)),
        ],
        out_shape=[
            jax.ShapeDtypeStruct((m_, 1, n), jnp.int32),
            jax.ShapeDtypeStruct((m_, n, s), jnp.float32),
        ],
    )(xrs, cbt, bias, cba, hilo_tab)

    codes_flat = codes.reshape(m_ * n)
    table = jnp.concatenate(
        [cbs.reshape(m_ * k, s), jnp.zeros((m_ * k, spad - s), jnp.float32)], axis=1)
    hard = _make_sc_gather(m_ * n, spad, n, k)(codes_flat, table)
    hard = hard.reshape(m_, n, spad)

    bn3 = min(2048, n)
    loss = pl.pallas_call(
        _loss_kernel,
        grid=(m_, n // bn3),
        in_specs=[
            pl.BlockSpec((1, bn3, s), lambda m, i: (m, i, 0)),
            pl.BlockSpec((1, bn3, s), lambda m, i: (m, i, 0)),
            pl.BlockSpec((1, bn3, spad), lambda m, i: (m, i, 0)),
            pl.BlockSpec((1, 1), lambda m, i: (0, 0)),
        ],
        out_specs=pl.BlockSpec((1, 1), lambda m, i: (0, 0)),
        out_shape=jax.ShapeDtypeStruct((1, 1), jnp.float32),
        scratch_shapes=[pltpu.SMEM((3,), jnp.float32)],
    )(xrs, soft, hard, reg)

    hard_codes = codes.reshape(m_, n).T
    return (hard_codes, loss[0, 0])

# --- scband reference (transcript-rebuilt; emitter-appended) ---
"""Pipeline reference for scband-dprod-q-2448131359012 (READ-ONLY COPY).

The authoritative reference and input builder live on the scoring server;
editing this copy changes nothing except your own understanding.
"""

import jax, jax.numpy as jnp
import numpy as np

M = 4
K = 8192
D = 256
SPLIT = D // M
N = 8192


def setup_inputs(seed: int = 0) -> dict:
    key = jax.random.key(seed)
    ks = jax.random.split(key, 6)
    inp = {"x": jax.random.normal(ks[0], (N, D), dtype=jnp.float32)}
    for i in range(M):
        inp[f"codebook{i}"] = jax.random.normal(ks[1 + i], (K, SPLIT), dtype=jnp.float32)
    inp["rotateMatrix"] = jax.random.normal(ks[5], (D, D), dtype=jnp.float32)
    return inp


def _l2_distance_with_norm(x, c):
    # ||x||^2 - 2 x c^T + ||c||^2, shape [N, K]
    xx = jnp.sum(x * x, axis=-1, keepdims=True)
    cc = jnp.sum(c * c, axis=-1)[None, :]
    return xx - 2.0 * (x @ c.T) + cc


def _mse(a, b):
    return jnp.mean((a - b) ** 2)


def reference(x, codebook0, codebook1, codebook2, codebook3, rotateMatrix):
    codebooks = [codebook0, codebook1, codebook2, codebook3]
    x = x @ rotateMatrix
    hardCodes = []
    softs = []
    hards = []
    jointCenters = []
    for i in range(M):
        split = x[:, i * SPLIT:(i + 1) * SPLIT]
        ci = codebooks[i]
        distance = -_l2_distance_with_norm(split, ci)
        soft = jax.nn.softmax(distance, axis=-1) @ ci
        hardCode = jnp.argmax(distance, axis=1)
        hardCodes.append(hardCode)
        # one_hot(hardCode).float() @ ci == gather rows of ci (identical math & gradient)
        hard = jnp.take(ci, hardCode, axis=0)
        softs.append(_mse(split, soft))
        hards.append(_mse(split, hard))
        jointCenters.append(_mse(soft, hard))
    hardCodes = jnp.stack(hardCodes, axis=-1)
    softDistortion = sum(softs)
    hardDistortion = sum(hards)
    jointCenter = sum(jointCenters)
    loss = 0.1 * softDistortion + hardDistortion + 0.1 * jointCenter
    regularization = _mse(rotateMatrix @ rotateMatrix.T, jnp.eye(D, dtype=rotateMatrix.dtype))
    loss = loss + 0.01 * regularization
    return (hardCodes, loss)

if __name__ == "__main__":
    import jax
    _d = setup_inputs()
    print(jax.jit(kernel)(*tuple(_d.values())))

</pallas_src>

<mosaic_0001>
#map = affine_map<(d0, d1) -> (0)>
#map1 = affine_map<(d0, d1) -> (0, 0)>
module attributes {stable_mosaic.version = 14 : i64} {
  func.func @k(%arg0: i32, %arg1: i32, %arg2: memref<32768xi32, #tpu.memory_space<hbm>>, %arg3: memref<32768x128xf32, #tpu.memory_space<hbm>>, %arg4: memref<32768x128xf32, #tpu.memory_space<hbm>>, %arg5: memref<128xi32, #tpu.memory_space<vmem>>, %arg6: memref<128x128xf32, #tpu.memory_space<vmem>>, %arg7: memref<!tpu.dma_semaphore, #tpu.memory_space<semaphore_mem>>) attributes {dimension_semantics = [#tpu.dimension_semantics<core_parallel>, #tpu.dimension_semantics<subcore_parallel>], iteration_bounds = array<i64: 2, 16>, scalar_prefetch = 0 : i64, scratch_operands = 3 : i64, tpu.core_type = #tpu.core_type<sc_vector_subcore>, window_params = [{transform_indices = #map}, {transform_indices = #map1}, {transform_indices = #map1}]} {
    %mul3A = arith.constant 2 : i32
    %mul3A_0 = arith.muli %arg1, %mul3A : i32
    %add3A = arith.addi %mul3A_0, %arg0 : i32
    %mul3A_1 = arith.constant 1024 : i32
    %mul3A_2 = arith.muli %add3A, %mul3A_1 : i32
    %jit3A = arith.constant 8192 : i32
    %div3A = arith.divsi %mul3A_2, %jit3A : i32
    %sign3A = arith.constant 0 : i32
    %sign3A_3 = arith.cmpi sgt, %mul3A_2, %sign3A : i32
    %sign3A_4 = arith.extui %sign3A_3 : i1 to i32
    %sign3A_5 = arith.constant 0 : i32
    %sign3A_6 = arith.cmpi slt, %mul3A_2, %sign3A_5 : i32
    %sign3A_7 = arith.extui %sign3A_6 : i1 to i32
    %sign3A_8 = arith.subi %sign3A_4, %sign3A_7 : i32
    %sign3A_9 = arith.constant 0 : i32
    %sign3A_10 = arith.cmpi sgt, %jit3A, %sign3A_9 : i32
    %sign3A_11 = arith.extui %sign3A_10 : i1 to i32
    %sign3A_12 = arith.constant 0 : i32
    %sign3A_13 = arith.cmpi slt, %jit3A, %sign3A_12 : i32
    %sign3A_14 = arith.extui %sign3A_13 : i1 to i32
    %sign3A_15 = arith.subi %sign3A_11, %sign3A_14 : i32
    %ne3A = arith.cmpi ne, %sign3A_8, %sign3A_15 : i32
    %rem3A = arith.remsi %mul3A_2, %jit3A : i32
    %ne3A_16 = arith.constant 0 : i32
    %ne3A_17 = arith.cmpi ne, %rem3A, %ne3A_16 : i32
    %and3A = arith.andi %ne3A, %ne3A_17 : i1
    %sub3A = arith.constant 1 : i32
    %sub3A_18 = arith.subi %div3A, %sub3A : i32
    %select_n3A = arith.select %and3A, %sub3A_18, %div3A : i32
    %mul3A_19 = arith.constant 8192 : i32
    %mul3A_20 = arith.muli %select_n3A, %mul3A_19 : i32
    %add3A_21 = arith.constant 0 : i32
    %add3A_22 = arith.addi %mul3A_2, %add3A_21 : i32
    "tpu.region"() ({
      %run_scoped3A = tpu.sem_alloc : memref<!tpu.dma_semaphore, #tpu.memory_space<semaphore_mem>>
      %dma_start3A_657 = tpu.memref_slice %arg2[%add3A_22] : memref<32768xi32, #tpu.memory_space<hbm>> -> memref<128xi32, #tpu.memory_space<hbm>>
      %dma_start3A_658 = tpu.memref_slice %arg2[%add3A_22] : memref<32768xi32, #tpu.memory_space<hbm>> -> memref<128xi32, #tpu.memory_space<hbm>>
      tpu.enqueue_dma source(%dma_start3A_658 : memref<128xi32, #tpu.memory_space<hbm>>) target(%arg5 : memref<128xi32, #tpu.memory_space<vmem>>) target_semaphore(%run_scoped3A : memref<!tpu.dma_semaphore, #tpu.memory_space<semaphore_mem>>)
      %dma_wait3A_659 = tpu.memref_slice %arg2[%add3A_22] : memref<32768xi32, #tpu.memory_space<hbm>> -> memref<128xi32, #tpu.memory_space<hbm>>
      %dma_wait3A_660 = tpu.memref_slice %arg2[%add3A_22] : memref<32768xi32, #tpu.memory_space<hbm>> -> memref<128xi32, #tpu.memory_space<hbm>>
      tpu.wait_dma2 semaphore(%run_scoped3A : memref<!tpu.dma_semaphore, #tpu.memory_space<semaphore_mem>>) src(%dma_wait3A_660 : memref<128xi32, #tpu.memory_space<hbm>>) dst(%arg5 : memref<128xi32, #tpu.memory_space<vmem>>)
      tpu.yield
    }) : () -> ()
    %get3A = arith.constant 0 : index
    %get3A_23 = tpu.vector_load %arg5[%get3A] {strides = array<i32>} : memref<128xi32, #tpu.memory_space<vmem>>, vector<16xi32>,
    %get3A_24 = vector.shape_cast %get3A_23 : vector<16xi32> to vector<16xi32>
    %add3A_25 = vector.broadcast %mul3A_20 : i32 to vector<16xi32>
    %add3A_26 = arith.addi %get3A_24, %add3A_25 : vector<16xi32>
    %swap3A = arith.constant 0 : index
    %swap3A_27 = tpu.vector_load %arg5[%swap3A] {strides = array<i32>} : memref<128xi32, #tpu.memory_space<vmem>>, vector<16xi32>,
    %swap3A_28 = vector.shape_cast %swap3A_27 : vector<16xi32> to vector<16xi32>
    %swap3A_29 = vector.shape_cast %add3A_26 : vector<16xi32> to vector<16xi32>
    tpu.vector_store %arg5[%swap3A], %swap3A_29 {strides = array<i32>} : memref<128xi32, #tpu.memory_space<vmem>>, vector<16xi32>,
    %get3A_30 = arith.constant 16 : index
    %get3A_31 = tpu.vector_load %arg5[%get3A_30] {strides = array<i32>} : memref<128xi32, #tpu.memory_space<vmem>>, vector<16xi32>,
    %get3A_32 = vector.shape_cast %get3A_31 : vector<16xi32> to vector<16xi32>
    %add3A_33 = vector.broadcast %mul3A_20 : i32 to vector<16xi32>
    %add3A_34 = arith.addi %get3A_32, %add3A_33 : vector<16xi32>
    %swap3A_35 = arith.constant 16 : index
    %swap3A_36 = tpu.vector_load %arg5[%swap3A_35] {strides = array<i32>} : memref<128xi32, #tpu.memory_space<vmem>>, vector<16xi32>,
    %swap3A_37 = vector.shape_cast %swap3A_36 : vector<16xi32> to vector<16xi32>
    %swap3A_38 = vector.shape_cast %add3A_34 : vector<16xi32> to vector<16xi32>
    tpu.vector_store %arg5[%swap3A_35], %swap3A_38 {strides = array<i32>} : memref<128xi32, #tpu.memory_space<vmem>>, vector<16xi32>,
    %get3A_39 = arith.constant 32 : index
    %get3A_40 = tpu.vector_load %arg5[%get3A_39] {strides = array<i32>} : memref<128xi32, #tpu.memory_space<vmem>>, vector<16xi32>,
    %get3A_41 = vector.shape_cast %get3A_40 : vector<16xi32> to vector<16xi32>
    %add3A_42 = vector.broadcast %mul3A_20 : i32 to vector<16xi32>
    %add3A_43 = arith.addi %get3A_41, %add3A_42 : vector<16xi32>
    %swap3A_44 = arith.constant 32 : index
    %swap3A_45 = tpu.vector_load %arg5[%swap3A_44] {strides = array<i32>} : memref<128xi32, #tpu.memory_space<vmem>>, vector<16xi32>,
    %swap3A_46 = vector.shape_cast %swap3A_45 : vector<16xi32> to vector<16xi32>
    %swap3A_47 = vector.shape_cast %add3A_43 : vector<16xi32> to vector<16xi32>
    tpu.vector_store %arg5[%swap3A_44], %swap3A_47 {strides = array<i32>} : memref<128xi32, #tpu.memory_space<vmem>>, vector<16xi32>,
    %get3A_48 = arith.constant 48 : index
    %get3A_49 = tpu.vector_load %arg5[%get3A_48] {strides = array<i32>} : memref<128xi32, #tpu.memory_space<vmem>>, vector<16xi32>,
    %get3A_50 = vector.shape_cast %get3A_49 : vector<16xi32> to vector<16xi32>
    %add3A_51 = vector.broadcast %mul3A_20 : i32 to vector<16xi32>
    %add3A_52 = arith.addi %get3A_50, %add3A_51 : vector<16xi32>
    %swap3A_53 = arith.constant 48 : index
    %swap3A_54 = tpu.vector_load %arg5[%swap3A_53] {strides = array<i32>} : memref<128xi32, #tpu.memory_space<vmem>>, vector<16xi32>,
    %swap3A_55 = vector.shape_cast %swap3A_54 : vector<16xi32> to vector<16xi32>
    %swap3A_56 = vector.shape_cast %add3A_52 : vector<16xi32> to vector<16xi32>
    tpu.vector_store %arg5[%swap3A_53], %swap3A_56 {strides = array<i32>} : memref<128xi32, #tpu.memory_space<vmem>>, vector<16xi32>,
    %get3A_57 = arith.constant 64 : index
    %get3A_58 = tpu.vector_load %arg5[%get3A_57] {strides = array<i32>} : memref<128xi32, #tpu.memory_space<vmem>>, vector<16xi32>,
    %get3A_59 = vector.shape_cast %get3A_58 : vector<16xi32> to vector<16xi32>
    %add3A_60 = vector.broadcast %mul3A_20 : i32 to vector<16xi32>
    %add3A_61 = arith.addi %get3A_59, %add3A_60 : vector<16xi32>
    %swap3A_62 = arith.constant 64 : index
    %swap3A_63 = tpu.vector_load %arg5[%swap3A_62] {strides = array<i32>} : memref<128xi32, #tpu.memory_space<vmem>>, vector<16xi32>,
    %swap3A_64 = vector.shape_cast %swap3A_63 : vector<16xi32> to vector<16xi32>
    %swap3A_65 = vector.shape_cast %add3A_61 : vector<16xi32> to vector<16xi32>
    tpu.vector_store %arg5[%swap3A_62], %swap3A_65 {strides = array<i32>} : memref<128xi32, #tpu.memory_space<vmem>>, vector<16xi32>,
    %get3A_66 = arith.constant 80 : index
    %get3A_67 = tpu.vector_load %arg5[%get3A_66] {strides = array<i32>} : memref<128xi32, #tpu.memory_space<vmem>>, vector<16xi32>,
    %get3A_68 = vector.shape_cast %get3A_67 : vector<16xi32> to vector<16xi32>
    %add3A_69 = vector.broadcast %mul3A_20 : i32 to vector<16xi32>
    %add3A_70 = arith.addi %get3A_68, %add3A_69 : vector<16xi32>
    %swap3A_71 = arith.constant 80 : index
    %swap3A_72 = tpu.vector_load %arg5[%swap3A_71] {strides = array<i32>} : memref<128xi32, #tpu.memory_space<vmem>>, vector<16xi32>,
    %swap3A_73 = vector.shape_cast %swap3A_72 : vector<16xi32> to vector<16xi32>
    %swap3A_74 = vector.shape_cast %add3A_70 : vector<16xi32> to vector<16xi32>
    tpu.vector_store %arg5[%swap3A_71], %swap3A_74 {strides = array<i32>} : memref<128xi32, #tpu.memory_space<vmem>>, vector<16xi32>,
    %get3A_75 = arith.constant 96 : index
    %get3A_76 = tpu.vector_load %arg5[%get3A_75] {strides = array<i32>} : memref<128xi32, #tpu.memory_space<vmem>>, vector<16xi32>,
    %get3A_77 = vector.shape_cast %get3A_76 : vector<16xi32> to vector<16xi32>
    %add3A_78 = vector.broadcast %mul3A_20 : i32 to vector<16xi32>
    %add3A_79 = arith.addi %get3A_77, %add3A_78 : vector<16xi32>
    %swap3A_80 = arith.constant 96 : index
    %swap3A_81 = tpu.vector_load %arg5[%swap3A_80] {strides = array<i32>} : memref<128xi32, #tpu.memory_space<vmem>>, vector<16xi32>,
    %swap3A_82 = vector.shape_cast %swap3A_81 : vector<16xi32> to vector<16xi32>
    %swap3A_83 = vector.shape_cast %add3A_79 : vector<16xi32> to vector<16xi32>
    tpu.vector_store %arg5[%swap3A_80], %swap3A_83 {strides = array<i32>} : memref<128xi32, #tpu.memory_space<vmem>>, vector<16xi32>,
    %get3A_84 = arith.constant 112 : index
    %get3A_85 = tpu.vector_load %arg5[%get3A_84] {strides = array<i32>} : memref<128xi32, #tpu.memory_space<vmem>>, vector<16xi32>,
    %get3A_86 = vector.shape_cast %get3A_85 : vector<16xi32> to vector<16xi32>
    %add3A_87 = vector.broadcast %mul3A_20 : i32 to vector<16xi32>
    %add3A_88 = arith.addi %get3A_86, %add3A_87 : vector<16xi32>
    %swap3A_89 = arith.constant 112 : index
    %swap3A_90 = tpu.vector_load %arg5[%swap3A_89] {strides = array<i32>} : memref<128xi32, #tpu.memory_space<vmem>>, vector<16xi32>,
    %swap3A_91 = vector.shape_cast %swap3A_90 : vector<16xi32> to vector<16xi32>
    %swap3A_92 = vector.shape_cast %add3A_88 : vector<16xi32> to vector<16xi32>
    tpu.vector_store %arg5[%swap3A_89], %swap3A_92 {strides = array<i32>} : memref<128xi32, #tpu.memory_space<vmem>>, vector<16xi32>,
    %dma_start3A = arith.constant 0 : i32
    %dma_start3A_93 = arith.constant 0 : i32
    %dma_start3A_94 = tpu.memref_slice %arg3[%dma_start3A, %dma_start3A_93] : memref<32768x128xf32, #tpu.memory_space<hbm>> -> memref<32768x128xf32, #tpu.memory_space<hbm>>
    tpu.enqueue_indirect_dma source(%dma_start3A_94 : memref<32768x128xf32, #tpu.memory_space<hbm>>) target(%arg6 : memref<128x128xf32, #tpu.memory_space<vmem>>) offsets(%arg5 : memref<128xi32, #tpu.memory_space<vmem>>) semaphore(%arg7 : memref<!tpu.dma_semaphore, #tpu.memory_space<semaphore_mem>>)
    %dma_wait3A = arith.constant 0 : i32
    %dma_wait3A_95 = arith.constant 0 : i32
    %dma_wait3A_96 = tpu.memref_slice %arg3[%dma_wait3A, %dma_wait3A_95] : memref<32768x128xf32, #tpu.memory_space<hbm>> -> memref<32768x128xf32, #tpu.memory_space<hbm>>
    tpu.wait_indirect_dma semaphore(%arg7 : memref<!tpu.dma_semaphore, #tpu.memory_space<semaphore_mem>>) src(%dma_wait3A_96 : memref<32768x128xf32, #tpu.memory_space<hbm>>) dst(%arg6 : memref<128x128xf32, #tpu.memory_space<vmem>>)
    "tpu.region"() ({
      %run_scoped3A = tpu.sem_alloc : memref<!tpu.dma_semaphore, #tpu.memory_space<semaphore_mem>>
      %dma_start3A_657 = arith.constant 0 : i32
      %dma_start3A_658 = tpu.memref_slice %arg4[%add3A_22, %dma_start3A_657] : memref<32768x128xf32, #tpu.memory_space<hbm>> -> memref<128x128xf32, #tpu.memory_space<hbm>>
      %dma_start3A_659 = arith.constant 0 : i32
      %dma_start3A_660 = tpu.memref_slice %arg4[%add3A_22, %dma_start3A_659] : memref<32768x128xf32, #tpu.memory_space<hbm>> -> memref<128x128xf32, #tpu.memory_space<hbm>>
      tpu.enqueue_dma source(%arg6 : memref<128x128xf32, #tpu.memory_space<vmem>>) target(%dma_start3A_660 : memref<128x128xf32, #tpu.memory_space<hbm>>) target_semaphore(%run_scoped3A : memref<!tpu.dma_semaphore, #tpu.memory_space<semaphore_mem>>)
      %dma_wait3A_661 = arith.constant 0 : i32
      %dma_wait3A_662 = tpu.memref_slice %arg4[%add3A_22, %dma_wait3A_661] : memref<32768x128xf32, #tpu.memory_space<hbm>> -> memref<128x128xf32, #tpu.memory_space<hbm>>
      %dma_wait3A_663 = arith.constant 0 : i32
      %dma_wait3A_664 = tpu.memref_slice %arg4[%add3A_22, %dma_wait3A_663] : memref<32768x128xf32, #tpu.memory_space<hbm>> -> memref<128x128xf32, #tpu.memory_space<hbm>>
      tpu.wait_dma2 semaphore(%run_scoped3A : memref<!tpu.dma_semaphore, #tpu.memory_space<semaphore_mem>>) src(%arg6 : memref<128x128xf32, #tpu.memory_space<vmem>>) dst(%dma_wait3A_664 : memref<128x128xf32, #tpu.memory_space<hbm>>)
      tpu.yield
    }) : () -> ()
    %add3A_97 = arith.constant 128 : i32
    %add3A_98 = arith.addi %mul3A_2, %add3A_97 : i32
    "tpu.region"() ({
      %run_scoped3A = tpu.sem_alloc : memref<!tpu.dma_semaphore, #tpu.memory_space<semaphore_mem>>
      %dma_start3A_657 = tpu.memref_slice %arg2[%add3A_98] : memref<32768xi32, #tpu.memory_space<hbm>> -> memref<128xi32, #tpu.memory_space<hbm>>
      %dma_start3A_658 = tpu.memref_slice %arg2[%add3A_98] : memref<32768xi32, #tpu.memory_space<hbm>> -> memref<128xi32, #tpu.memory_space<hbm>>
      tpu.enqueue_dma source(%dma_start3A_658 : memref<128xi32, #tpu.memory_space<hbm>>) target(%arg5 : memref<128xi32, #tpu.memory_space<vmem>>) target_semaphore(%run_scoped3A : memref<!tpu.dma_semaphore, #tpu.memory_space<semaphore_mem>>)
      %dma_wait3A_659 = tpu.memref_slice %arg2[%add3A_98] : memref<32768xi32, #tpu.memory_space<hbm>> -> memref<128xi32, #tpu.memory_space<hbm>>
      %dma_wait3A_660 = tpu.memref_slice %arg2[%add3A_98] : memref<32768xi32, #tpu.memory_space<hbm>> -> memref<128xi32, #tpu.memory_space<hbm>>
      tpu.wait_dma2 semaphore(%run_scoped3A : memref<!tpu.dma_semaphore, #tpu.memory_space<semaphore_mem>>) src(%dma_wait3A_660 : memref<128xi32, #tpu.memory_space<hbm>>) dst(%arg5 : memref<128xi32, #tpu.memory_space<vmem>>)
      tpu.yield
    }) : () -> ()
    %get3A_99 = arith.constant 0 : index
    %get3A_100 = tpu.vector_load %arg5[%get3A_99] {strides = array<i32>} : memref<128xi32, #tpu.memory_space<vmem>>, vector<16xi32>,
    %get3A_101 = vector.shape_cast %get3A_100 : vector<16xi32> to vector<16xi32>
    %add3A_102 = vector.broadcast %mul3A_20 : i32 to vector<16xi32>
    %add3A_103 = arith.addi %get3A_101, %add3A_102 : vector<16xi32>
    %swap3A_104 = arith.constant 0 : index
    %swap3A_105 = tpu.vector_load %arg5[%swap3A_104] {strides = array<i32>} : memref<128xi32, #tpu.memory_space<vmem>>, vector<16xi32>,
    %swap3A_106 = vector.shape_cast %swap3A_105 : vector<16xi32> to vector<16xi32>
    %swap3A_107 = vector.shape_cast %add3A_103 : vector<16xi32> to vector<16xi32>
    tpu.vector_store %arg5[%swap3A_104], %swap3A_107 {strides = array<i32>} : memref<128xi32, #tpu.memory_space<vmem>>, vector<16xi32>,
    %get3A_108 = arith.constant 16 : index
    %get3A_109 = tpu.vector_load %arg5[%get3A_108] {strides = array<i32>} : memref<128xi32, #tpu.memory_space<vmem>>, vector<16xi32>,
    %get3A_110 = vector.shape_cast %get3A_109 : vector<16xi32> to vector<16xi32>
    %add3A_111 = vector.broadcast %mul3A_20 : i32 to vector<16xi32>
    %add3A_112 = arith.addi %get3A_110, %add3A_111 : vector<16xi32>
    %swap3A_113 = arith.constant 16 : index
    %swap3A_114 = tpu.vector_load %arg5[%swap3A_113] {strides = array<i32>} : memref<128xi32, #tpu.memory_space<vmem>>, vector<16xi32>,
    %swap3A_115 = vector.shape_cast %swap3A_114 : vector<16xi32> to vector<16xi32>
    %swap3A_116 = vector.shape_cast %add3A_112 : vector<16xi32> to vector<16xi32>
    tpu.vector_store %arg5[%swap3A_113], %swap3A_116 {strides = array<i32>} : memref<128xi32, #tpu.memory_space<vmem>>, vector<16xi32>,
    %get3A_117 = arith.constant 32 : index
    %get3A_118 = tpu.vector_load %arg5[%get3A_117] {strides = array<i32>} : memref<128xi32, #tpu.memory_space<vmem>>, vector<16xi32>,
    %get3A_119 = vector.shape_cast %get3A_118 : vector<16xi32> to vector<16xi32>
    %add3A_120 = vector.broadcast %mul3A_20 : i32 to vector<16xi32>
    %add3A_121 = arith.addi %get3A_119, %add3A_120 : vector<16xi32>
    %swap3A_122 = arith.constant 32 : index
    %swap3A_123 = tpu.vector_load %arg5[%swap3A_122] {strides = array<i32>} : memref<128xi32, #tpu.memory_space<vmem>>, vector<16xi32>,
    %swap3A_124 = vector.shape_cast %swap3A_123 : vector<16xi32> to vector<16xi32>
    %swap3A_125 = vector.shape_cast %add3A_121 : vector<16xi32> to vector<16xi32>
    tpu.vector_store %arg5[%swap3A_122], %swap3A_125 {strides = array<i32>} : memref<128xi32, #tpu.memory_space<vmem>>, vector<16xi32>,
    %get3A_126 = arith.constant 48 : index
    %get3A_127 = tpu.vector_load %arg5[%get3A_126] {strides = array<i32>} : memref<128xi32, #tpu.memory_space<vmem>>, vector<16xi32>,
    %get3A_128 = vector.shape_cast %get3A_127 : vector<16xi32> to vector<16xi32>
    %add3A_129 = vector.broadcast %mul3A_20 : i32 to vector<16xi32>
    %add3A_130 = arith.addi %get3A_128, %add3A_129 : vector<16xi32>
    %swap3A_131 = arith.constant 48 : index
    %swap3A_132 = tpu.vector_load %arg5[%swap3A_131] {strides = array<i32>} : memref<128xi32, #tpu.memory_space<vmem>>, vector<16xi32>,
    %swap3A_133 = vector.shape_cast %swap3A_132 : vector<16xi32> to vector<16xi32>
    %swap3A_134 = vector.shape_cast %add3A_130 : vector<16xi32> to vector<16xi32>
    tpu.vector_store %arg5[%swap3A_131], %swap3A_134 {strides = array<i32>} : memref<128xi32, #tpu.memory_space<vmem>>, vector<16xi32>,
    %get3A_135 = arith.constant 64 : index
    %get3A_136 = tpu.vector_load %arg5[%get3A_135] {strides = array<i32>} : memref<128xi32, #tpu.memory_space<vmem>>, vector<16xi32>,
    %get3A_137 = vector.shape_cast %get3A_136 : vector<16xi32> to vector<16xi32>
    %add3A_138 = vector.broadcast %mul3A_20 : i32 to vector<16xi32>
    %add3A_139 = arith.addi %get3A_137, %add3A_138 : vector<16xi32>
    %swap3A_140 = arith.constant 64 : index
    %swap3A_141 = tpu.vector_load %arg5[%swap3A_140] {strides = array<i32>} : memref<128xi32, #tpu.memory_space<vmem>>, vector<16xi32>,
    %swap3A_142 = vector.shape_cast %swap3A_141 : vector<16xi32> to vector<16xi32>
    %swap3A_143 = vector.shape_cast %add3A_139 : vector<16xi32> to vector<16xi32>
    tpu.vector_store %arg5[%swap3A_140], %swap3A_143 {strides = array<i32>} : memref<128xi32, #tpu.memory_space<vmem>>, vector<16xi32>,
    %get3A_144 = arith.constant 80 : index
    %get3A_145 = tpu.vector_load %arg5[%get3A_144] {strides = array<i32>} : memref<128xi32, #tpu.memory_space<vmem>>, vector<16xi32>,
    %get3A_146 = vector.shape_cast %get3A_145 : vector<16xi32> to vector<16xi32>
    %add3A_147 = vector.broadcast %mul3A_20 : i32 to vector<16xi32>
    %add3A_148 = arith.addi %get3A_146, %add3A_147 : vector<16xi32>
    %swap3A_149 = arith.constant 80 : index
    %swap3A_150 = tpu.vector_load %arg5[%swap3A_149] {strides = array<i32>} : memref<128xi32, #tpu.memory_space<vmem>>, vector<16xi32>,
    %swap3A_151 = vector.shape_cast %swap3A_150 : vector<16xi32> to vector<16xi32>
    %swap3A_152 = vector.shape_cast %add3A_148 : vector<16xi32> to vector<16xi32>
    tpu.vector_store %arg5[%swap3A_149], %swap3A_152 {strides = array<i32>} : memref<128xi32, #tpu.memory_space<vmem>>, vector<16xi32>,
    %get3A_153 = arith.constant 96 : index
    %get3A_154 = tpu.vector_load %arg5[%get3A_153] {strides = array<i32>} : memref<128xi32, #tpu.memory_space<vmem>>, vector<16xi32>,
    %get3A_155 = vector.shape_cast %get3A_154 : vector<16xi32> to vector<16xi32>
    %add3A_156 = vector.broadcast %mul3A_20 : i32 to vector<16xi32>
    %add3A_157 = arith.addi %get3A_155, %add3A_156 : vector<16xi32>
    %swap3A_158 = arith.constant 96 : index
    %swap3A_159 = tpu.vector_load %arg5[%swap3A_158] {strides = array<i32>} : memref<128xi32, #tpu.memory_space<vmem>>, vector<16xi32>,
    %swap3A_160 = vector.shape_cast %swap3A_159 : vector<16xi32> to vector<16xi32>
    %swap3A_161 = vector.shape_cast %add3A_157 : vector<16xi32> to vector<16xi32>
    tpu.vector_store %arg5[%swap3A_158], %swap3A_161 {strides = array<i32>} : memref<128xi32, #tpu.memory_space<vmem>>, vector<16xi32>,
    %get3A_162 = arith.constant 112 : index
    %get3A_163 = tpu.vector_load %arg5[%get3A_162] {strides = array<i32>} : memref<128xi32, #tpu.memory_space<vmem>>, vector<16xi32>,
    %get3A_164 = vector.shape_cast %get3A_163 : vector<16xi32> to vector<16xi32>
    %add3A_165 = vector.broadcast %mul3A_20 : i32 to vector<16xi32>
    %add3A_166 = arith.addi %get3A_164, %add3A_165 : vector<16xi32>
    %swap3A_167 = arith.constant 112 : index
    %swap3A_168 = tpu.vector_load %arg5[%swap3A_167] {strides = array<i32>} : memref<128xi32, #tpu.memory_space<vmem>>, vector<16xi32>,
    %swap3A_169 = vector.shape_cast %swap3A_168 : vector<16xi32> to vector<16xi32>
    %swap3A_170 = vector.shape_cast %add3A_166 : vector<16xi32> to vector<16xi32>
    tpu.vector_store %arg5[%swap3A_167], %swap3A_170 {strides = array<i32>} : memref<128xi32, #tpu.memory_space<vmem>>, vector<16xi32>,
    %dma_start3A_171 = arith.constant 0 : i32
    %dma_start3A_172 = arith.constant 0 : i32
    %dma_start3A_173 = tpu.memref_slice %arg3[%dma_start3A_171, %dma_start3A_172] : memref<32768x128xf32, #tpu.memory_space<hbm>> -> memref<32768x128xf32, #tpu.memory_space<hbm>>
    tpu.enqueue_indirect_dma source(%dma_start3A_173 : memref<32768x128xf32, #tpu.memory_space<hbm>>) target(%arg6 : memref<128x128xf32, #tpu.memory_space<vmem>>) offsets(%arg5 : memref<128xi32, #tpu.memory_space<vmem>>) semaphore(%arg7 : memref<!tpu.dma_semaphore, #tpu.memory_space<semaphore_mem>>)
    %dma_wait3A_174 = arith.constant 0 : i32
    %dma_wait3A_175 = arith.constant 0 : i32
    %dma_wait3A_176 = tpu.memref_slice %arg3[%dma_wait3A_174, %dma_wait3A_175] : memref<32768x128xf32, #tpu.memory_space<hbm>> -> memref<32768x128xf32, #tpu.memory_space<hbm>>
    tpu.wait_indirect_dma semaphore(%arg7 : memref<!tpu.dma_semaphore, #tpu.memory_space<semaphore_mem>>) src(%dma_wait3A_176 : memref<32768x128xf32, #tpu.memory_space<hbm>>) dst(%arg6 : memref<128x128xf32, #tpu.memory_space<vmem>>)
    "tpu.region"() ({
      %run_scoped3A = tpu.sem_alloc : memref<!tpu.dma_semaphore, #tpu.memory_space<semaphore_mem>>
      %dma_start3A_657 = arith.constant 0 : i32
      %dma_start3A_658 = tpu.memref_slice %arg4[%add3A_98, %dma_start3A_657] : memref<32768x128xf32, #tpu.memory_space<hbm>> -> memref<128x128xf32, #tpu.memory_space<hbm>>
      %dma_start3A_659 = arith.constant 0 : i32
      %dma_start3A_660 = tpu.memref_slice %arg4[%add3A_98, %dma_start3A_659] : memref<32768x128xf32, #tpu.memory_space<hbm>> -> memref<128x128xf32, #tpu.memory_space<hbm>>
      tpu.enqueue_dma source(%arg6 : memref<128x128xf32, #tpu.memory_space<vmem>>) target(%dma_start3A_660 : memref<128x128xf32, #tpu.memory_space<hbm>>) target_semaphore(%run_scoped3A : memref<!tpu.dma_semaphore, #tpu.memory_space<semaphore_mem>>)
      %dma_wait3A_661 = arith.constant 0 : i32
      %dma_wait3A_662 = tpu.memref_slice %arg4[%add3A_98, %dma_wait3A_661] : memref<32768x128xf32, #tpu.memory_space<hbm>> -> memref<128x128xf32, #tpu.memory_space<hbm>>
      %dma_wait3A_663 = arith.constant 0 : i32
      %dma_wait3A_664 = tpu.memref_slice %arg4[%add3A_98, %dma_wait3A_663] : memref<32768x128xf32, #tpu.memory_space<hbm>> -> memref<128x128xf32, #tpu.memory_space<hbm>>
      tpu.wait_dma2 semaphore(%run_scoped3A : memref<!tpu.dma_semaphore, #tpu.memory_space<semaphore_mem>>) src(%arg6 : memref<128x128xf32, #tpu.memory_space<vmem>>) dst(%dma_wait3A_664 : memref<128x128xf32, #tpu.memory_space<hbm>>)
      tpu.yield
    }) : () -> ()
    %add3A_177 = arith.constant 256 : i32
    %add3A_178 = arith.addi %mul3A_2, %add3A_177 : i32
    "tpu.region"() ({
      %run_scoped3A = tpu.sem_alloc : memref<!tpu.dma_semaphore, #tpu.memory_space<semaphore_mem>>
      %dma_start3A_657 = tpu.memref_slice %arg2[%add3A_178] : memref<32768xi32, #tpu.memory_space<hbm>> -> memref<128xi32, #tpu.memory_space<hbm>>
      %dma_start3A_658 = tpu.memref_slice %arg2[%add3A_178] : memref<32768xi32, #tpu.memory_space<hbm>> -> memref<128xi32, #tpu.memory_space<hbm>>
      tpu.enqueue_dma source(%dma_start3A_658 : memref<128xi32, #tpu.memory_space<hbm>>) target(%arg5 : memref<128xi32, #tpu.memory_space<vmem>>) target_semaphore(%run_scoped3A : memref<!tpu.dma_semaphore, #tpu.memory_space<semaphore_mem>>)
      %dma_wait3A_659 = tpu.memref_slice %arg2[%add3A_178] : memref<32768xi32, #tpu.memory_space<hbm>> -> memref<128xi32, #tpu.memory_space<hbm>>
      %dma_wait3A_660 = tpu.memref_slice %arg2[%add3A_178] : memref<32768xi32, #tpu.memory_space<hbm>> -> memref<128xi32, #tpu.memory_space<hbm>>
      tpu.wait_dma2 semaphore(%run_scoped3A : memref<!tpu.dma_semaphore, #tpu.memory_space<semaphore_mem>>) src(%dma_wait3A_660 : memref<128xi32, #tpu.memory_space<hbm>>) dst(%arg5 : memref<128xi32, #tpu.memory_space<vmem>>)
      tpu.yield
    }) : () -> ()
    %get3A_179 = arith.constant 0 : index
    %get3A_180 = tpu.vector_load %arg5[%get3A_179] {strides = array<i32>} : memref<128xi32, #tpu.memory_space<vmem>>, vector<16xi32>,
    %get3A_181 = vector.shape_cast %get3A_180 : vector<16xi32> to vector<16xi32>
    %add3A_182 = vector.broadcast %mul3A_20 : i32 to vector<16xi32>
    %add3A_183 = arith.addi %get3A_181, %add3A_182 : vector<16xi32>
    %swap3A_184 = arith.constant 0 : index
    %swap3A_185 = tpu.vector_load %arg5[%swap3A_184] {strides = array<i32>} : memref<128xi32, #tpu.memory_space<vmem>>, vector<16xi32>,
    %swap3A_186 = vector.shape_cast %swap3A_185 : vector<16xi32> to vector<16xi32>
    %swap3A_187 = vector.shape_cast %add3A_183 : vector<16xi32> to vector<16xi32>
    tpu.vector_store %arg5[%swap3A_184], %swap3A_187 {strides = array<i32>} : memref<128xi32, #tpu.memory_space<vmem>>, vector<16xi32>,
    %get3A_188 = arith.constant 16 : index
    %get3A_189 = tpu.vector_load %arg5[%get3A_188] {strides = array<i32>} : memref<128xi32, #tpu.memory_space<vmem>>, vector<16xi32>,
    %get3A_190 = vector.shape_cast %get3A_189 : vector<16xi32> to vector<16xi32>
    %add3A_191 = vector.broadcast %mul3A_20 : i32 to vector<16xi32>
    %add3A_192 = arith.addi %get3A_190, %add3A_191 : vector<16xi32>
    %swap3A_193 = arith.constant 16 : index
    %swap3A_194 = tpu.vector_load %arg5[%swap3A_193] {strides = array<i32>} : memref<128xi32, #tpu.memory_space<vmem>>, vector<16xi32>,
    %swap3A_195 = vector.shape_cast %swap3A_194 : vector<16xi32> to vector<16xi32>
    %swap3A_196 = vector.shape_cast %add3A_192 : vector<16xi32> to vector<16xi32>
    tpu.vector_store %arg5[%swap3A_193], %swap3A_196 {strides = array<i32>} : memref<128xi32, #tpu.memory_space<vmem>>, vector<16xi32>,
    %get3A_197 = arith.constant 32 : index
    %get3A_198 = tpu.vector_load %arg5[%get3A_197] {strides = array<i32>} : memref<128xi32, #tpu.memory_space<vmem>>, vector<16xi32>,
    %get3A_199 = vector.shape_cast %get3A_198 : vector<16xi32> to vector<16xi32>
    %add3A_200 = vector.broadcast %mul3A_20 : i32 to vector<16xi32>
    %add3A_201 = arith.addi %get3A_199, %add3A_200 : vector<16xi32>
    %swap3A_202 = arith.constant 32 : index
    %swap3A_203 = tpu.vector_load %arg5[%swap3A_202] {strides = array<i32>} : memref<128xi32, #tpu.memory_space<vmem>>, vector<16xi32>,
    %swap3A_204 = vector.shape_cast %swap3A_203 : vector<16xi32> to vector<16xi32>
    %swap3A_205 = vector.shape_cast %add3A_201 : vector<16xi32> to vector<16xi32>
    tpu.vector_store %arg5[%swap3A_202], %swap3A_205 {strides = array<i32>} : memref<128xi32, #tpu.memory_space<vmem>>, vector<16xi32>,
    %get3A_206 = arith.constant 48 : index
    %get3A_207 = tpu.vector_load %arg5[%get3A_206] {strides = array<i32>} : memref<128xi32, #tpu.memory_space<vmem>>, vector<16xi32>,
    %get3A_208 = vector.shape_cast %get3A_207 : vector<16xi32> to vector<16xi32>
    %add3A_209 = vector.broadcast %mul3A_20 : i32 to vector<16xi32>
    %add3A_210 = arith.addi %get3A_208, %add3A_209 : vector<16xi32>
    %swap3A_211 = arith.constant 48 : index
    %swap3A_212 = tpu.vector_load %arg5[%swap3A_211] {strides = array<i32>} : memref<128xi32, #tpu.memory_space<vmem>>, vector<16xi32>,
    %swap3A_213 = vector.shape_cast %swap3A_212 : vector<16xi32> to vector<16xi32>
    %swap3A_214 = vector.shape_cast %add3A_210 : vector<16xi32> to vector<16xi32>
    tpu.vector_store %arg5[%swap3A_211], %swap3A_214 {strides = array<i32>} : memref<128xi32, #tpu.memory_space<vmem>>, vector<16xi32>,
    %get3A_215 = arith.constant 64 : index
    %get3A_216 = tpu.vector_load %arg5[%get3A_215] {strides = array<i32>} : memref<128xi32, #tpu.memory_space<vmem>>, vector<16xi32>,
    %get3A_217 = vector.shape_cast %get3A_216 : vector<16xi32> to vector<16xi32>
    %add3A_218 = vector.broadcast %mul3A_20 : i32 to vector<16xi32>
    %add3A_219 = arith.addi %get3A_217, %add3A_218 : vector<16xi32>
    %swap3A_220 = arith.constant 64 : index
    %swap3A_221 = tpu.vector_load %arg5[%swap3A_220] {strides = array<i32>} : memref<128xi32, #tpu.memory_space<vmem>>, vector<16xi32>,
    %swap3A_222 = vector.shape_cast %swap3A_221 : vector<16xi32> to vector<16xi32>
    %swap3A_223 = vector.shape_cast %add3A_219 : vector<16xi32> to vector<16xi32>
    tpu.vector_store %arg5[%swap3A_220], %swap3A_223 {strides = array<i32>} : memref<128xi32, #tpu.memory_space<vmem>>, vector<16xi32>,
    %get3A_224 = arith.constant 80 : index
    %get3A_225 = tpu.vector_load %arg5[%get3A_224] {strides = array<i32>} : memref<128xi32, #tpu.memory_space<vmem>>, vector<16xi32>,
    %get3A_226 = vector.shape_cast %get3A_225 : vector<16xi32> to vector<16xi32>
    %add3A_227 = vector.broadcast %mul3A_20 : i32 to vector<16xi32>
    %add3A_228 = arith.addi %get3A_226, %add3A_227 : vector<16xi32>
    %swap3A_229 = arith.constant 80 : index
    %swap3A_230 = tpu.vector_load %arg5[%swap3A_229] {strides = array<i32>} : memref<128xi32, #tpu.memory_space<vmem>>, vector<16xi32>,
    %swap3A_231 = vector.shape_cast %swap3A_230 : vector<16xi32> to vector<16xi32>
    %swap3A_232 = vector.shape_cast %add3A_228 : vector<16xi32> to vector<16xi32>
    tpu.vector_store %arg5[%swap3A_229], %swap3A_232 {strides = array<i32>} : memref<128xi32, #tpu.memory_space<vmem>>, vector<16xi32>,
    %get3A_233 = arith.constant 96 : index
    %get3A_234 = tpu.vector_load %arg5[%get3A_233] {strides = array<i32>} : memref<128xi32, #tpu.memory_space<vmem>>, vector<16xi32>,
    %get3A_235 = vector.shape_cast %get3A_234 : vector<16xi32> to vector<16xi32>
    %add3A_236 = vector.broadcast %mul3A_20 : i32 to vector<16xi32>
    %add3A_237 = arith.addi %get3A_235, %add3A_236 : vector<16xi32>
    %swap3A_238 = arith.constant 96 : index
    %swap3A_239 = tpu.vector_load %arg5[%swap3A_238] {strides = array<i32>} : memref<128xi32, #tpu.memory_space<vmem>>, vector<16xi32>,
    %swap3A_240 = vector.shape_cast %swap3A_239 : vector<16xi32> to vector<16xi32>
    %swap3A_241 = vector.shape_cast %add3A_237 : vector<16xi32> to vector<16xi32>
    tpu.vector_store %arg5[%swap3A_238], %swap3A_241 {strides = array<i32>} : memref<128xi32, #tpu.memory_space<vmem>>, vector<16xi32>,
    %get3A_242 = arith.constant 112 : index
    %get3A_243 = tpu.vector_load %arg5[%get3A_242] {strides = array<i32>} : memref<128xi32, #tpu.memory_space<vmem>>, vector<16xi32>,
    %get3A_244 = vector.shape_cast %get3A_243 : vector<16xi32> to vector<16xi32>
    %add3A_245 = vector.broadcast %mul3A_20 : i32 to vector<16xi32>
    %add3A_246 = arith.addi %get3A_244, %add3A_245 : vector<16xi32>
    %swap3A_247 = arith.constant 112 : index
    %swap3A_248 = tpu.vector_load %arg5[%swap3A_247] {strides = array<i32>} : memref<128xi32, #tpu.memory_space<vmem>>, vector<16xi32>,
    %swap3A_249 = vector.shape_cast %swap3A_248 : vector<16xi32> to vector<16xi32>
    %swap3A_250 = vector.shape_cast %add3A_246 : vector<16xi32> to vector<16xi32>
    tpu.vector_store %arg5[%swap3A_247], %swap3A_250 {strides = array<i32>} : memref<128xi32, #tpu.memory_space<vmem>>, vector<16xi32>,
    %dma_start3A_251 = arith.constant 0 : i32
    %dma_start3A_252 = arith.constant 0 : i32
    %dma_start3A_253 = tpu.memref_slice %arg3[%dma_start3A_251, %dma_start3A_252] : memref<32768x128xf32, #tpu.memory_space<hbm>> -> memref<32768x128xf32, #tpu.memory_space<hbm>>
    tpu.enqueue_indirect_dma source(%dma_start3A_253 : memref<32768x128xf32, #tpu.memory_space<hbm>>) target(%arg6 : memref<128x128xf32, #tpu.memory_space<vmem>>) offsets(%arg5 : memref<128xi32, #tpu.memory_space<vmem>>) semaphore(%arg7 : memref<!tpu.dma_semaphore, #tpu.memory_space<semaphore_mem>>)
    %dma_wait3A_254 = arith.constant 0 : i32
    %dma_wait3A_255 = arith.constant 0 : i32
    %dma_wait3A_256 = tpu.memref_slice %arg3[%dma_wait3A_254, %dma_wait3A_255] : memref<32768x128xf32, #tpu.memory_space<hbm>> -> memref<32768x128xf32, #tpu.memory_space<hbm>>
    tpu.wait_indirect_dma semaphore(%arg7 : memref<!tpu.dma_semaphore, #tpu.memory_space<semaphore_mem>>) src(%dma_wait3A_256 : memref<32768x128xf32, #tpu.memory_space<hbm>>) dst(%arg6 : memref<128x128xf32, #tpu.memory_space<vmem>>)
    "tpu.region"() ({
      %run_scoped3A = tpu.sem_alloc : memref<!tpu.dma_semaphore, #tpu.memory_space<semaphore_mem>>
      %dma_start3A_657 = arith.constant 0 : i32
      %dma_start3A_658 = tpu.memref_slice %arg4[%add3A_178, %dma_start3A_657] : memref<32768x128xf32, #tpu.memory_space<hbm>> -> memref<128x128xf32, #tpu.memory_space<hbm>>
      %dma_start3A_659 = arith.constant 0 : i32
      %dma_start3A_660 = tpu.memref_slice %arg4[%add3A_178, %dma_start3A_659] : memref<32768x128xf32, #tpu.memory_space<hbm>> -> memref<128x128xf32, #tpu.memory_space<hbm>>
      tpu.enqueue_dma source(%arg6 : memref<128x128xf32, #tpu.memory_space<vmem>>) target(%dma_start3A_660 : memref<128x128xf32, #tpu.memory_space<hbm>>) target_semaphore(%run_scoped3A : memref<!tpu.dma_semaphore, #tpu.memory_space<semaphore_mem>>)
      %dma_wait3A_661 = arith.constant 0 : i32
      %dma_wait3A_662 = tpu.memref_slice %arg4[%add3A_178, %dma_wait3A_661] : memref<32768x128xf32, #tpu.memory_space<hbm>> -> memref<128x128xf32, #tpu.memory_space<hbm>>
      %dma_wait3A_663 = arith.constant 0 : i32
      %dma_wait3A_664 = tpu.memref_slice %arg4[%add3A_178, %dma_wait3A_663] : memref<32768x128xf32, #tpu.memory_space<hbm>> -> memref<128x128xf32, #tpu.memory_space<hbm>>
      tpu.wait_dma2 semaphore(%run_scoped3A : memref<!tpu.dma_semaphore, #tpu.memory_space<semaphore_mem>>) src(%arg6 : memref<128x128xf32, #tpu.memory_space<vmem>>) dst(%dma_wait3A_664 : memref<128x128xf32, #tpu.memory_space<hbm>>)
      tpu.yield
    }) : () -> ()
    %add3A_257 = arith.constant 384 : i32
    %add3A_258 = arith.addi %mul3A_2, %add3A_257 : i32
    "tpu.region"() ({
      %run_scoped3A = tpu.sem_alloc : memref<!tpu.dma_semaphore, #tpu.memory_space<semaphore_mem>>
      %dma_start3A_657 = tpu.memref_slice %arg2[%add3A_258] : memref<32768xi32, #tpu.memory_space<hbm>> -> memref<128xi32, #tpu.memory_space<hbm>>
      %dma_start3A_658 = tpu.memref_slice %arg2[%add3A_258] : memref<32768xi32, #tpu.memory_space<hbm>> -> memref<128xi32, #tpu.memory_space<hbm>>
      tpu.enqueue_dma source(%dma_start3A_658 : memref<128xi32, #tpu.memory_space<hbm>>) target(%arg5 : memref<128xi32, #tpu.memory_space<vmem>>) target_semaphore(%run_scoped3A : memref<!tpu.dma_semaphore, #tpu.memory_space<semaphore_mem>>)
      %dma_wait3A_659 = tpu.memref_slice %arg2[%add3A_258] : memref<32768xi32, #tpu.memory_space<hbm>> -> memref<128xi32, #tpu.memory_space<hbm>>
      %dma_wait3A_660 = tpu.memref_slice %arg2[%add3A_258] : memref<32768xi32, #tpu.memory_space<hbm>> -> memref<128xi32, #tpu.memory_space<hbm>>
      tpu.wait_dma2 semaphore(%run_scoped3A : memref<!tpu.dma_semaphore, #tpu.memory_space<semaphore_mem>>) src(%dma_wait3A_660 : memref<128xi32, #tpu.memory_space<hbm>>) dst(%arg5 : memref<128xi32, #tpu.memory_space<vmem>>)
      tpu.yield
    }) : () -> ()
    %get3A_259 = arith.constant 0 : index
    %get3A_260 = tpu.vector_load %arg5[%get3A_259] {strides = array<i32>} : memref<128xi32, #tpu.memory_space<vmem>>, vector<16xi32>,
    %get3A_261 = vector.shape_cast %get3A_260 : vector<16xi32> to vector<16xi32>
    %add3A_262 = vector.broadcast %mul3A_20 : i32 to vector<16xi32>
    %add3A_263 = arith.addi %get3A_261, %add3A_262 : vector<16xi32>
    %swap3A_264 = arith.constant 0 : index
    %swap3A_265 = tpu.vector_load %arg5[%swap3A_264] {strides = array<i32>} : memref<128xi32, #tpu.memory_space<vmem>>, vector<16xi32>,
    %swap3A_266 = vector.shape_cast %swap3A_265 : vector<16xi32> to vector<16xi32>
    %swap3A_267 = vector.shape_cast %add3A_263 : vector<16xi32> to vector<16xi32>
    tpu.vector_store %arg5[%swap3A_264], %swap3A_267 {strides = array<i32>} : memref<128xi32, #tpu.memory_space<vmem>>, vector<16xi32>,
    %get3A_268 = arith.constant 16 : index
    %get3A_269 = tpu.vector_load %arg5[%get3A_268] {strides = array<i32>} : memref<128xi32, #tpu.memory_space<vmem>>, vector<16xi32>,
    %get3A_270 = vector.shape_cast %get3A_269 : vector<16xi32> to vector<16xi32>
    %add3A_271 = vector.broadcast %mul3A_20 : i32 to vector<16xi32>
    %add3A_272 = arith.addi %get3A_270, %add3A_271 : vector<16xi32>
    %swap3A_273 = arith.constant 16 : index
    %swap3A_274 = tpu.vector_load %arg5[%swap3A_273] {strides = array<i32>} : memref<128xi32, #tpu.memory_space<vmem>>, vector<16xi32>,
    %swap3A_275 = vector.shape_cast %swap3A_274 : vector<16xi32> to vector<16xi32>
    %swap3A_276 = vector.shape_cast %add3A_272 : vector<16xi32> to vector<16xi32>
    tpu.vector_store %arg5[%swap3A_273], %swap3A_276 {strides = array<i32>} : memref<128xi32, #tpu.memory_space<vmem>>, vector<16xi32>,
    %get3A_277 = arith.constant 32 : index
    %get3A_278 = tpu.vector_load %arg5[%get3A_277] {strides = array<i32>} : memref<128xi32, #tpu.memory_space<vmem>>, vector<16xi32>,
    %get3A_279 = vector.shape_cast %get3A_278 : vector<16xi32> to vector<16xi32>
    %add3A_280 = vector.broadcast %mul3A_20 : i32 to vector<16xi32>
    %add3A_281 = arith.addi %get3A_279, %add3A_280 : vector<16xi32>
    %swap3A_282 = arith.constant 32 : index
    %swap3A_283 = tpu.vector_load %arg5[%swap3A_282] {strides = array<i32>} : memref<128xi32, #tpu.memory_space<vmem>>, vector<16xi32>,
    %swap3A_284 = vector.shape_cast %swap3A_283 : vector<16xi32> to vector<16xi32>
    %swap3A_285 = vector.shape_cast %add3A_281 : vector<16xi32> to vector<16xi32>
    tpu.vector_store %arg5[%swap3A_282], %swap3A_285 {strides = array<i32>} : memref<128xi32, #tpu.memory_space<vmem>>, vector<16xi32>,
    %get3A_286 = arith.constant 48 : index
    %get3A_287 = tpu.vector_load %arg5[%get3A_286] {strides = array<i32>} : memref<128xi32, #tpu.memory_space<vmem>>, vector<16xi32>,
    %get3A_288 = vector.shape_cast %get3A_287 : vector<16xi32> to vector<16xi32>
    %add3A_289 = vector.broadcast %mul3A_20 : i32 to vector<16xi32>
    %add3A_290 = arith.addi %get3A_288, %add3A_289 : vector<16xi32>
    %swap3A_291 = arith.constant 48 : index
    %swap3A_292 = tpu.vector_load %arg5[%swap3A_291] {strides = array<i32>} : memref<128xi32, #tpu.memory_space<vmem>>, vector<16xi32>,
    %swap3A_293 = vector.shape_cast %swap3A_292 : vector<16xi32> to vector<16xi32>
    %swap3A_294 = vector.shape_cast %add3A_290 : vector<16xi32> to vector<16xi32>
    tpu.vector_store %arg5[%swap3A_291], %swap3A_294 {strides = array<i32>} : memref<128xi32, #tpu.memory_space<vmem>>, vector<16xi32>,
    %get3A_295 = arith.constant 64 : index
    %get3A_296 = tpu.vector_load %arg5[%get3A_295] {strides = array<i32>} : memref<128xi32, #tpu.memory_space<vmem>>, vector<16xi32>,
    %get3A_297 = vector.shape_cast %get3A_296 : vector<16xi32> to vector<16xi32>
    %add3A_298 = vector.broadcast %mul3A_20 : i32 to vector<16xi32>
    %add3A_299 = arith.addi %get3A_297, %add3A_298 : vector<16xi32>
    %swap3A_300 = arith.constant 64 : index
    %swap3A_301 = tpu.vector_load %arg5[%swap3A_300] {strides = array<i32>} : memref<128xi32, #tpu.memory_space<vmem>>, vector<16xi32>,
    %swap3A_302 = vector.shape_cast %swap3A_301 : vector<16xi32> to vector<16xi32>
    %swap3A_303 = vector.shape_cast %add3A_299 : vector<16xi32> to vector<16xi32>
    tpu.vector_store %arg5[%swap3A_300], %swap3A_303 {strides = array<i32>} : memref<128xi32, #tpu.memory_space<vmem>>, vector<16xi32>,
    %get3A_304 = arith.constant 80 : index
    %get3A_305 = tpu.vector_load %arg5[%get3A_304] {strides = array<i32>} : memref<128xi32, #tpu.memory_space<vmem>>, vector<16xi32>,
    %get3A_306 = vector.shape_cast %get3A_305 : vector<16xi32> to vector<16xi32>
    %add3A_307 = vector.broadcast %mul3A_20 : i32 to vector<16xi32>
    %add3A_308 = arith.addi %get3A_306, %add3A_307 : vector<16xi32>
    %swap3A_309 = arith.constant 80 : index
    %swap3A_310 = tpu.vector_load %arg5[%swap3A_309] {strides = array<i32>} : memref<128xi32, #tpu.memory_space<vmem>>, vector<16xi32>,
    %swap3A_311 = vector.shape_cast %swap3A_310 : vector<16xi32> to vector<16xi32>
    %swap3A_312 = vector.shape_cast %add3A_308 : vector<16xi32> to vector<16xi32>
    tpu.vector_store %arg5[%swap3A_309], %swap3A_312 {strides = array<i32>} : memref<128xi32, #tpu.memory_space<vmem>>, vector<16xi32>,
    %get3A_313 = arith.constant 96 : index
    %get3A_314 = tpu.vector_load %arg5[%get3A_313] {strides = array<i32>} : memref<128xi32, #tpu.memory_space<vmem>>, vector<16xi32>,
    %get3A_315 = vector.shape_cast %get3A_314 : vector<16xi32> to vector<16xi32>
    %add3A_316 = vector.broadcast %mul3A_20 : i32 to vector<16xi32>
    %add3A_317 = arith.addi %get3A_315, %add3A_316 : vector<16xi32>
    %swap3A_318 = arith.constant 96 : index
    %swap3A_319 = tpu.vector_load %arg5[%swap3A_318] {strides = array<i32>} : memref<128xi32, #tpu.memory_space<vmem>>, vector<16xi32>,
    %swap3A_320 = vector.shape_cast %swap3A_319 : vector<16xi32> to vector<16xi32>
    %swap3A_321 = vector.shape_cast %add3A_317 : vector<16xi32> to vector<16xi32>
    tpu.vector_store %arg5[%swap3A_318], %swap3A_321 {strides = array<i32>} : memref<128xi32, #tpu.memory_space<vmem>>, vector<16xi32>,
    %get3A_322 = arith.constant 112 : index
    %get3A_323 = tpu.vector_load %arg5[%get3A_322] {strides = array<i32>} : memref<128xi32, #tpu.memory_space<vmem>>, vector<16xi32>,
    %get3A_324 = vector.shape_cast %get3A_323 : vector<16xi32> to vector<16xi32>
    %add3A_325 = vector.broadcast %mul3A_20 : i32 to vector<16xi32>
    %add3A_326 = arith.addi %get3A_324, %add3A_325 : vector<16xi32>
    %swap3A_327 = arith.constant 112 : index
    %swap3A_328 = tpu.vector_load %arg5[%swap3A_327] {strides = array<i32>} : memref<128xi32, #tpu.memory_space<vmem>>, vector<16xi32>,
    %swap3A_329 = vector.shape_cast %swap3A_328 : vector<16xi32> to vector<16xi32>
    %swap3A_330 = vector.shape_cast %add3A_326 : vector<16xi32> to vector<16xi32>
    tpu.vector_store %arg5[%swap3A_327], %swap3A_330 {strides = array<i32>} : memref<128xi32, #tpu.memory_space<vmem>>, vector<16xi32>,
    %dma_start3A_331 = arith.constant 0 : i32
    %dma_start3A_332 = arith.constant 0 : i32
    %dma_start3A_333 = tpu.memref_slice %arg3[%dma_start3A_331, %dma_start3A_332] : memref<32768x128xf32, #tpu.memory_space<hbm>> -> memref<32768x128xf32, #tpu.memory_space<hbm>>
    tpu.enqueue_indirect_dma source(%dma_start3A_333 : memref<32768x128xf32, #tpu.memory_space<hbm>>) target(%arg6 : memref<128x128xf32, #tpu.memory_space<vmem>>) offsets(%arg5 : memref<128xi32, #tpu.memory_space<vmem>>) semaphore(%arg7 : memref<!tpu.dma_semaphore, #tpu.memory_space<semaphore_mem>>)
    %dma_wait3A_334 = arith.constant 0 : i32
    %dma_wait3A_335 = arith.constant 0 : i32
    %dma_wait3A_336 = tpu.memref_slice %arg3[%dma_wait3A_334, %dma_wait3A_335] : memref<32768x128xf32, #tpu.memory_space<hbm>> -> memref<32768x128xf32, #tpu.memory_space<hbm>>
    tpu.wait_indirect_dma semaphore(%arg7 : memref<!tpu.dma_semaphore, #tpu.memory_space<semaphore_mem>>) src(%dma_wait3A_336 : memref<32768x128xf32, #tpu.memory_space<hbm>>) dst(%arg6 : memref<128x128xf32, #tpu.memory_space<vmem>>)
    "tpu.region"() ({
      %run_scoped3A = tpu.sem_alloc : memref<!tpu.dma_semaphore, #tpu.memory_space<semaphore_mem>>
      %dma_start3A_657 = arith.constant 0 : i32
      %dma_start3A_658 = tpu.memref_slice %arg4[%add3A_258, %dma_start3A_657] : memref<32768x128xf32, #tpu.memory_space<hbm>> -> memref<128x128xf32, #tpu.memory_space<hbm>>
      %dma_start3A_659 = arith.constant 0 : i32
      %dma_start3A_660 = tpu.memref_slice %arg4[%add3A_258, %dma_start3A_659] : memref<32768x128xf32, #tpu.memory_space<hbm>> -> memref<128x128xf32, #tpu.memory_space<hbm>>
      tpu.enqueue_dma source(%arg6 : memref<128x128xf32, #tpu.memory_space<vmem>>) target(%dma_start3A_660 : memref<128x128xf32, #tpu.memory_space<hbm>>) target_semaphore(%run_scoped3A : memref<!tpu.dma_semaphore, #tpu.memory_space<semaphore_mem>>)
      %dma_wait3A_661 = arith.constant 0 : i32
      %dma_wait3A_662 = tpu.memref_slice %arg4[%add3A_258, %dma_wait3A_661] : memref<32768x128xf32, #tpu.memory_space<hbm>> -> memref<128x128xf32, #tpu.memory_space<hbm>>
      %dma_wait3A_663 = arith.constant 0 : i32
      %dma_wait3A_664 = tpu.memref_slice %arg4[%add3A_258, %dma_wait3A_663] : memref<32768x128xf32, #tpu.memory_space<hbm>> -> memref<128x128xf32, #tpu.memory_space<hbm>>
      tpu.wait_dma2 semaphore(%run_scoped3A : memref<!tpu.dma_semaphore, #tpu.memory_space<semaphore_mem>>) src(%arg6 : memref<128x128xf32, #tpu.memory_space<vmem>>) dst(%dma_wait3A_664 : memref<128x128xf32, #tpu.memory_space<hbm>>)
      tpu.yield
    }) : () -> ()
    %add3A_337 = arith.constant 512 : i32
    %add3A_338 = arith.addi %mul3A_2, %add3A_337 : i32
    "tpu.region"() ({
      %run_scoped3A = tpu.sem_alloc : memref<!tpu.dma_semaphore, #tpu.memory_space<semaphore_mem>>
      %dma_start3A_657 = tpu.memref_slice %arg2[%add3A_338] : memref<32768xi32, #tpu.memory_space<hbm>> -> memref<128xi32, #tpu.memory_space<hbm>>
      %dma_start3A_658 = tpu.memref_slice %arg2[%add3A_338] : memref<32768xi32, #tpu.memory_space<hbm>> -> memref<128xi32, #tpu.memory_space<hbm>>
      tpu.enqueue_dma source(%dma_start3A_658 : memref<128xi32, #tpu.memory_space<hbm>>) target(%arg5 : memref<128xi32, #tpu.memory_space<vmem>>) target_semaphore(%run_scoped3A : memref<!tpu.dma_semaphore, #tpu.memory_space<semaphore_mem>>)
      %dma_wait3A_659 = tpu.memref_slice %arg2[%add3A_338] : memref<32768xi32, #tpu.memory_space<hbm>> -> memref<128xi32, #tpu.memory_space<hbm>>
      %dma_wait3A_660 = tpu.memref_slice %arg2[%add3A_338] : memref<32768xi32, #tpu.memory_space<hbm>> -> memref<128xi32, #tpu.memory_space<hbm>>
      tpu.wait_dma2 semaphore(%run_scoped3A : memref<!tpu.dma_semaphore, #tpu.memory_space<semaphore_mem>>) src(%dma_wait3A_660 : memref<128xi32, #tpu.memory_space<hbm>>) dst(%arg5 : memref<128xi32, #tpu.memory_space<vmem>>)
      tpu.yield
    }) : () -> ()
    %get3A_339 = arith.constant 0 : index
    %get3A_340 = tpu.vector_load %arg5[%get3A_339] {strides = array<i32>} : memref<128xi32, #tpu.memory_space<vmem>>, vector<16xi32>,
    %get3A_341 = vector.shape_cast %get3A_340 : vector<16xi32> to vector<16xi32>
    %add3A_342 = vector.broadcast %mul3A_20 : i32 to vector<16xi32>
    %add3A_343 = arith.addi %get3A_341, %add3A_342 : vector<16xi32>
    %swap3A_344 = arith.constant 0 : index
    %swap3A_345 = tpu.vector_load %arg5[%swap3A_344] {strides = array<i32>} : memref<128xi32, #tpu.memory_space<vmem>>, vector<16xi32>,
    %swap3A_346 = vector.shape_cast %swap3A_345 : vector<16xi32> to vector<16xi32>
    %swap3A_347 = vector.shape_cast %add3A_343 : vector<16xi32> to vector<16xi32>
    tpu.vector_store %arg5[%swap3A_344], %swap3A_347 {strides = array<i32>} : memref<128xi32, #tpu.memory_space<vmem>>, vector<16xi32>,
    %get3A_348 = arith.constant 16 : index
    %get3A_349 = tpu.vector_load %arg5[%get3A_348] {strides = array<i32>} : memref<128xi32, #tpu.memory_space<vmem>>, vector<16xi32>,
    %get3A_350 = vector.shape_cast %get3A_349 : vector<16xi32> to vector<16xi32>
    %add3A_351 = vector.broadcast %mul3A_20 : i32 to vector<16xi32>
    %add3A_352 = arith.addi %get3A_350, %add3A_351 : vector<16xi32>
    %swap3A_353 = arith.constant 16 : index
    %swap3A_354 = tpu.vector_load %arg5[%swap3A_353] {strides = array<i32>} : memref<128xi32, #tpu.memory_space<vmem>>, vector<16xi32>,
    %swap3A_355 = vector.shape_cast %swap3A_354 : vector<16xi32> to vector<16xi32>
    %swap3A_356 = vector.shape_cast %add3A_352 : vector<16xi32> to vector<16xi32>
    tpu.vector_store %arg5[%swap3A_353], %swap3A_356 {strides = array<i32>} : memref<128xi32, #tpu.memory_space<vmem>>, vector<16xi32>,
    %get3A_357 = arith.constant 32 : index
    %get3A_358 = tpu.vector_load %arg5[%get3A_357] {strides = array<i32>} : memref<128xi32, #tpu.memory_space<vmem>>, vector<16xi32>,
    %get3A_359 = vector.shape_cast %get3A_358 : vector<16xi32> to vector<16xi32>
    %add3A_360 = vector.broadcast %mul3A_20 : i32 to vector<16xi32>
    %add3A_361 = arith.addi %get3A_359, %add3A_360 : vector<16xi32>
    %swap3A_362 = arith.constant 32 : index
    %swap3A_363 = tpu.vector_load %arg5[%swap3A_362] {strides = array<i32>} : memref<128xi32, #tpu.memory_space<vmem>>, vector<16xi32>,
    %swap3A_364 = vector.shape_cast %swap3A_363 : vector<16xi32> to vector<16xi32>
    %swap3A_365 = vector.shape_cast %add3A_361 : vector<16xi32> to vector<16xi32>
    tpu.vector_store %arg5[%swap3A_362], %swap3A_365 {strides = array<i32>} : memref<128xi32, #tpu.memory_space<vmem>>, vector<16xi32>,
    %get3A_366 = arith.constant 48 : index
    %get3A_367 = tpu.vector_load %arg5[%get3A_366] {strides = array<i32>} : memref<128xi32, #tpu.memory_space<vmem>>, vector<16xi32>,
    %get3A_368 = vector.shape_cast %get3A_367 : vector<16xi32> to vector<16xi32>
    %add3A_369 = vector.broadcast %mul3A_20 : i32 to vector<16xi32>
    %add3A_370 = arith.addi %get3A_368, %add3A_369 : vector<16xi32>
    %swap3A_371 = arith.constant 48 : index
    %swap3A_372 = tpu.vector_load %arg5[%swap3A_371] {strides = array<i32>} : memref<128xi32, #tpu.memory_space<vmem>>, vector<16xi32>,
    %swap3A_373 = vector.shape_cast %swap3A_372 : vector<16xi32> to vector<16xi32>
    %swap3A_374 = vector.shape_cast %add3A_370 : vector<16xi32> to vector<16xi32>
    tpu.vector_store %arg5[%swap3A_371], %swap3A_374 {strides = array<i32>} : memref<128xi32, #tpu.memory_space<vmem>>, vector<16xi32>,
    %get3A_375 = arith.constant 64 : index
    %get3A_376 = tpu.vector_load %arg5[%get3A_375] {strides = array<i32>} : memref<128xi32, #tpu.memory_space<vmem>>, vector<16xi32>,
    %get3A_377 = vector.shape_cast %get3A_376 : vector<16xi32> to vector<16xi32>
    %add3A_378 = vector.broadcast %mul3A_20 : i32 to vector<16xi32>
    %add3A_379 = arith.addi %get3A_377, %add3A_378 : vector<16xi32>
    %swap3A_380 = arith.constant 64 : index
    %swap3A_381 = tpu.vector_load %arg5[%swap3A_380] {strides = array<i32>} : memref<128xi32, #tpu.memory_space<vmem>>, vector<16xi32>,
    %swap3A_382 = vector.shape_cast %swap3A_381 : vector<16xi32> to vector<16xi32>
    %swap3A_383 = vector.shape_cast %add3A_379 : vector<16xi32> to vector<16xi32>
    tpu.vector_store %arg5[%swap3A_380], %swap3A_383 {strides = array<i32>} : memref<128xi32, #tpu.memory_space<vmem>>, vector<16xi32>,
    %get3A_384 = arith.constant 80 : index
    %get3A_385 = tpu.vector_load %arg5[%get3A_384] {strides = array<i32>} : memref<128xi32, #tpu.memory_space<vmem>>, vector<16xi32>,
    %get3A_386 = vector.shape_cast %get3A_385 : vector<16xi32> to vector<16xi32>
    %add3A_387 = vector.broadcast %mul3A_20 : i32 to vector<16xi32>
    %add3A_388 = arith.addi %get3A_386, %add3A_387 : vector<16xi32>
    %swap3A_389 = arith.constant 80 : index
    %swap3A_390 = tpu.vector_load %arg5[%swap3A_389] {strides = array<i32>} : memref<128xi32, #tpu.memory_space<vmem>>, vector<16xi32>,
    %swap3A_391 = vector.shape_cast %swap3A_390 : vector<16xi32> to vector<16xi32>
    %swap3A_392 = vector.shape_cast %add3A_388 : vector<16xi32> to vector<16xi32>
    tpu.vector_store %arg5[%swap3A_389], %swap3A_392 {strides = array<i32>} : memref<128xi32, #tpu.memory_space<vmem>>, vector<16xi32>,
    %get3A_393 = arith.constant 96 : index
    %get3A_394 = tpu.vector_load %arg5[%get3A_393] {strides = array<i32>} : memref<128xi32, #tpu.memory_space<vmem>>, vector<16xi32>,
    %get3A_395 = vector.shape_cast %get3A_394 : vector<16xi32> to vector<16xi32>
    %add3A_396 = vector.broadcast %mul3A_20 : i32 to vector<16xi32>
    %add3A_397 = arith.addi %get3A_395, %add3A_396 : vector<16xi32>
    %swap3A_398 = arith.constant 96 : index
    %swap3A_399 = tpu.vector_load %arg5[%swap3A_398] {strides = array<i32>} : memref<128xi32, #tpu.memory_space<vmem>>, vector<16xi32>,
    %swap3A_400 = vector.shape_cast %swap3A_399 : vector<16xi32> to vector<16xi32>
    %swap3A_401 = vector.shape_cast %add3A_397 : vector<16xi32> to vector<16xi32>
    tpu.vector_store %arg5[%swap3A_398], %swap3A_401 {strides = array<i32>} : memref<128xi32, #tpu.memory_space<vmem>>, vector<16xi32>,
    %get3A_402 = arith.constant 112 : index
    %get3A_403 = tpu.vector_load %arg5[%get3A_402] {strides = array<i32>} : memref<128xi32, #tpu.memory_space<vmem>>, vector<16xi32>,
    %get3A_404 = vector.shape_cast %get3A_403 : vector<16xi32> to vector<16xi32>
    %add3A_405 = vector.broadcast %mul3A_20 : i32 to vector<16xi32>
    %add3A_406 = arith.addi %get3A_404, %add3A_405 : vector<16xi32>
    %swap3A_407 = arith.constant 112 : index
    %swap3A_408 = tpu.vector_load %arg5[%swap3A_407] {strides = array<i32>} : memref<128xi32, #tpu.memory_space<vmem>>, vector<16xi32>,
    %swap3A_409 = vector.shape_cast %swap3A_408 : vector<16xi32> to vector<16xi32>
    %swap3A_410 = vector.shape_cast %add3A_406 : vector<16xi32> to vector<16xi32>
    tpu.vector_store %arg5[%swap3A_407], %swap3A_410 {strides = array<i32>} : memref<128xi32, #tpu.memory_space<vmem>>, vector<16xi32>,
    %dma_start3A_411 = arith.constant 0 : i32
    %dma_start3A_412 = arith.constant 0 : i32
    %dma_start3A_413 = tpu.memref_slice %arg3[%dma_start3A_411, %dma_start3A_412] : memref<32768x128xf32, #tpu.memory_space<hbm>> -> memref<32768x128xf32, #tpu.memory_space<hbm>>
    tpu.enqueue_indirect_dma source(%dma_start3A_413 : memref<32768x128xf32, #tpu.memory_space<hbm>>) target(%arg6 : memref<128x128xf32, #tpu.memory_space<vmem>>) offsets(%arg5 : memref<128xi32, #tpu.memory_space<vmem>>) semaphore(%arg7 : memref<!tpu.dma_semaphore, #tpu.memory_space<semaphore_mem>>)
    %dma_wait3A_414 = arith.constant 0 : i32
    %dma_wait3A_415 = arith.constant 0 : i32
    %dma_wait3A_416 = tpu.memref_slice %arg3[%dma_wait3A_414, %dma_wait3A_415] : memref<32768x128xf32, #tpu.memory_space<hbm>> -> memref<32768x128xf32, #tpu.memory_space<hbm>>
    tpu.wait_indirect_dma semaphore(%arg7 : memref<!tpu.dma_semaphore, #tpu.memory_space<semaphore_mem>>) src(%dma_wait3A_416 : memref<32768x128xf32, #tpu.memory_space<hbm>>) dst(%arg6 : memref<128x128xf32, #tpu.memory_space<vmem>>)
    "tpu.region"() ({
      %run_scoped3A = tpu.sem_alloc : memref<!tpu.dma_semaphore, #tpu.memory_space<semaphore_mem>>
      %dma_start3A_657 = arith.constant 0 : i32
      %dma_start3A_658 = tpu.memref_slice %arg4[%add3A_338, %dma_start3A_657] : memref<32768x128xf32, #tpu.memory_space<hbm>> -> memref<128x128xf32, #tpu.memory_space<hbm>>
      %dma_start3A_659 = arith.constant 0 : i32
      %dma_start3A_660 = tpu.memref_slice %arg4[%add3A_338, %dma_start3A_659] : memref<32768x128xf32, #tpu.memory_space<hbm>> -> memref<128x128xf32, #tpu.memory_space<hbm>>
      tpu.enqueue_dma source(%arg6 : memref<128x128xf32, #tpu.memory_space<vmem>>) target(%dma_start3A_660 : memref<128x128xf32, #tpu.memory_space<hbm>>) target_semaphore(%run_scoped3A : memref<!tpu.dma_semaphore, #tpu.memory_space<semaphore_mem>>)
      %dma_wait3A_661 = arith.constant 0 : i32
      %dma_wait3A_662 = tpu.memref_slice %arg4[%add3A_338, %dma_wait3A_661] : memref<32768x128xf32, #tpu.memory_space<hbm>> -> memref<128x128xf32, #tpu.memory_space<hbm>>
      %dma_wait3A_663 = arith.constant 0 : i32
      %dma_wait3A_664 = tpu.memref_slice %arg4[%add3A_338, %dma_wait3A_663] : memref<32768x128xf32, #tpu.memory_space<hbm>> -> memref<128x128xf32, #tpu.memory_space<hbm>>
      tpu.wait_dma2 semaphore(%run_scoped3A : memref<!tpu.dma_semaphore, #tpu.memory_space<semaphore_mem>>) src(%arg6 : memref<128x128xf32, #tpu.memory_space<vmem>>) dst(%dma_wait3A_664 : memref<128x128xf32, #tpu.memory_space<hbm>>)
      tpu.yield
    }) : () -> ()
    %add3A_417 = arith.constant 640 : i32
    %add3A_418 = arith.addi %mul3A_2, %add3A_417 : i32
    "tpu.region"() ({
      %run_scoped3A = tpu.sem_alloc : memref<!tpu.dma_semaphore, #tpu.memory_space<semaphore_mem>>
      %dma_start3A_657 = tpu.memref_slice %arg2[%add3A_418] : memref<32768xi32, #tpu.memory_space<hbm>> -> memref<128xi32, #tpu.memory_space<hbm>>
      %dma_start3A_658 = tpu.memref_slice %arg2[%add3A_418] : memref<32768xi32, #tpu.memory_space<hbm>> -> memref<128xi32, #tpu.memory_space<hbm>>
      tpu.enqueue_dma source(%dma_start3A_658 : memref<128xi32, #tpu.memory_space<hbm>>) target(%arg5 : memref<128xi32, #tpu.memory_space<vmem>>) target_semaphore(%run_scoped3A : memref<!tpu.dma_semaphore, #tpu.memory_space<semaphore_mem>>)
      %dma_wait3A_659 = tpu.memref_slice %arg2[%add3A_418] : memref<32768xi32, #tpu.memory_space<hbm>> -> memref<128xi32, #tpu.memory_space<hbm>>
      %dma_wait3A_660 = tpu.memref_slice %arg2[%add3A_418] : memref<32768xi32, #tpu.memory_space<hbm>> -> memref<128xi32, #tpu.memory_space<hbm>>
      tpu.wait_dma2 semaphore(%run_scoped3A : memref<!tpu.dma_semaphore, #tpu.memory_space<semaphore_mem>>) src(%dma_wait3A_660 : memref<128xi32, #tpu.memory_space<hbm>>) dst(%arg5 : memref<128xi32, #tpu.memory_space<vmem>>)
      tpu.yield
    }) : () -> ()
    %get3A_419 = arith.constant 0 : index
    %get3A_420 = tpu.vector_load %arg5[%get3A_419] {strides = array<i32>} : memref<128xi32, #tpu.memory_space<vmem>>, vector<16xi32>,
    %get3A_421 = vector.shape_cast %get3A_420 : vector<16xi32> to vector<16xi32>
    %add3A_422 = vector.broadcast %mul3A_20 : i32 to vector<16xi32>
    %add3A_423 = arith.addi %get3A_421, %add3A_422 : vector<16xi32>
    %swap3A_424 = arith.constant 0 : index
    %swap3A_425 = tpu.vector_load %arg5[%swap3A_424] {strides = array<i32>} : memref<128xi32, #tpu.memory_space<vmem>>, vector<16xi32>,
    %swap3A_426 = vector.shape_cast %swap3A_425 : vector<16xi32> to vector<16xi32>
    %swap3A_427 = vector.shape_cast %add3A_423 : vector<16xi32> to vector<16xi32>
    tpu.vector_store %arg5[%swap3A_424], %swap3A_427 {strides = array<i32>} : memref<128xi32, #tpu.memory_space<vmem>>, vector<16xi32>,
    %get3A_428 = arith.constant 16 : index
    %get3A_429 = tpu.vector_load %arg5[%get3A_428] {strides = array<i32>} : memref<128xi32, #tpu.memory_space<vmem>>, vector<16xi32>,
    %get3A_430 = vector.shape_cast %get3A_429 : vector<16xi32> to vector<16xi32>
    %add3A_431 = vector.broadcast %mul3A_20 : i32 to vector<16xi32>
    %add3A_432 = arith.addi %get3A_430, %add3A_431 : vector<16xi32>
    %swap3A_433 = arith.constant 16 : index
    %swap3A_434 = tpu.vector_load %arg5[%swap3A_433] {strides = array<i32>} : memref<128xi32, #tpu.memory_space<vmem>>, vector<16xi32>,
    %swap3A_435 = vector.shape_cast %swap3A_434 : vector<16xi32> to vector<16xi32>
    %swap3A_436 = vector.shape_cast %add3A_432 : vector<16xi32> to vector<16xi32>
    tpu.vector_store %arg5[%swap3A_433], %swap3A_436 {strides = array<i32>} : memref<128xi32, #tpu.memory_space<vmem>>, vector<16xi32>,
    %get3A_437 = arith.constant 32 : index
    %get3A_438 = tpu.vector_load %arg5[%get3A_437] {strides = array<i32>} : memref<128xi32, #tpu.memory_space<vmem>>, vector<16xi32>,
    %get3A_439 = vector.shape_cast %get3A_438 : vector<16xi32> to vector<16xi32>
    %add3A_440 = vector.broadcast %mul3A_20 : i32 to vector<16xi32>
    %add3A_441 = arith.addi %get3A_439, %add3A_440 : vector<16xi32>
    %swap3A_442 = arith.constant 32 : index
    %swap3A_443 = tpu.vector_load %arg5[%swap3A_442] {strides = array<i32>} : memref<128xi32, #tpu.memory_space<vmem>>, vector<16xi32>,
    %swap3A_444 = vector.shape_cast %swap3A_443 : vector<16xi32> to vector<16xi32>
    %swap3A_445 = vector.shape_cast %add3A_441 : vector<16xi32> to vector<16xi32>
    tpu.vector_store %arg5[%swap3A_442], %swap3A_445 {strides = array<i32>} : memref<128xi32, #tpu.memory_space<vmem>>, vector<16xi32>,
    %get3A_446 = arith.constant 48 : index
    %get3A_447 = tpu.vector_load %arg5[%get3A_446] {strides = array<i32>} : memref<128xi32, #tpu.memory_space<vmem>>, vector<16xi32>,
    %get3A_448 = vector.shape_cast %get3A_447 : vector<16xi32> to vector<16xi32>
    %add3A_449 = vector.broadcast %mul3A_20 : i32 to vector<16xi32>
    %add3A_450 = arith.addi %get3A_448, %add3A_449 : vector<16xi32>
    %swap3A_451 = arith.constant 48 : index
    %swap3A_452 = tpu.vector_load %arg5[%swap3A_451] {strides = array<i32>} : memref<128xi32, #tpu.memory_space<vmem>>, vector<16xi32>,
    %swap3A_453 = vector.shape_cast %swap3A_452 : vector<16xi32> to vector<16xi32>
    %swap3A_454 = vector.shape_cast %add3A_450 : vector<16xi32> to vector<16xi32>
    tpu.vector_store %arg5[%swap3A_451], %swap3A_454 {strides = array<i32>} : memref<128xi32, #tpu.memory_space<vmem>>, vector<16xi32>,
    %get3A_455 = arith.constant 64 : index
    %get3A_456 = tpu.vector_load %arg5[%get3A_455] {strides = array<i32>} : memref<128xi32, #tpu.memory_space<vmem>>, vector<16xi32>,
    %get3A_457 = vector.shape_cast %get3A_456 : vector<16xi32> to vector<16xi32>
    %add3A_458 = vector.broadcast %mul3A_20 : i32 to vector<16xi32>
    %add3A_459 = arith.addi %get3A_457, %add3A_458 : vector<16xi32>
    %swap3A_460 = arith.constant 64 : index
    %swap3A_461 = tpu.vector_load %arg5[%swap3A_460] {strides = array<i32>} : memref<128xi32, #tpu.memory_space<vmem>>, vector<16xi32>,
    %swap3A_462 = vector.shape_cast %swap3A_461 : vector<16xi32> to vector<16xi32>
    %swap3A_463 = vector.shape_cast %add3A_459 : vector<16xi32> to vector<16xi32>
    tpu.vector_store %arg5[%swap3A_460], %swap3A_463 {strides = array<i32>} : memref<128xi32, #tpu.memory_space<vmem>>, vector<16xi32>,
    %get3A_464 = arith.constant 80 : index
    %get3A_465 = tpu.vector_load %arg5[%get3A_464] {strides = array<i32>} : memref<128xi32, #tpu.memory_space<vmem>>, vector<16xi32>,
    %get3A_466 = vector.shape_cast %get3A_465 : vector<16xi32> to vector<16xi32>
    %add3A_467 = vector.broadcast %mul3A_20 : i32 to vector<16xi32>
    %add3A_468 = arith.addi %get3A_466, %add3A_467 : vector<16xi32>
    %swap3A_469 = arith.constant 80 : index
    %swap3A_470 = tpu.vector_load %arg5[%swap3A_469] {strides = array<i32>} : memref<128xi32, #tpu.memory_space<vmem>>, vector<16xi32>,
    %swap3A_471 = vector.shape_cast %swap3A_470 : vector<16xi32> to vector<16xi32>
    %swap3A_472 = vector.shape_cast %add3A_468 : vector<16xi32> to vector<16xi32>
    tpu.vector_store %arg5[%swap3A_469], %swap3A_472 {strides = array<i32>} : memref<128xi32, #tpu.memory_space<vmem>>, vector<16xi32>,
    %get3A_473 = arith.constant 96 : index
    %get3A_474 = tpu.vector_load %arg5[%get3A_473] {strides = array<i32>} : memref<128xi32, #tpu.memory_space<vmem>>, vector<16xi32>,
    %get3A_475 = vector.shape_cast %get3A_474 : vector<16xi32> to vector<16xi32>
    %add3A_476 = vector.broadcast %mul3A_20 : i32 to vector<16xi32>
    %add3A_477 = arith.addi %get3A_475, %add3A_476 : vector<16xi32>
    %swap3A_478 = arith.constant 96 : index
    %swap3A_479 = tpu.vector_load %arg5[%swap3A_478] {strides = array<i32>} : memref<128xi32, #tpu.memory_space<vmem>>, vector<16xi32>,
    %swap3A_480 = vector.shape_cast %swap3A_479 : vector<16xi32> to vector<16xi32>
    %swap3A_481 = vector.shape_cast %add3A_477 : vector<16xi32> to vector<16xi32>
    tpu.vector_store %arg5[%swap3A_478], %swap3A_481 {strides = array<i32>} : memref<128xi32, #tpu.memory_space<vmem>>, vector<16xi32>,
    %get3A_482 = arith.constant 112 : index
    %get3A_483 = tpu.vector_load %arg5[%get3A_482] {strides = array<i32>} : memref<128xi32, #tpu.memory_space<vmem>>, vector<16xi32>,
    %get3A_484 = vector.shape_cast %get3A_483 : vector<16xi32> to vector<16xi32>
    %add3A_485 = vector.broadcast %mul3A_20 : i32 to vector<16xi32>
    %add3A_486 = arith.addi %get3A_484, %add3A_485 : vector<16xi32>
    %swap3A_487 = arith.constant 112 : index
    %swap3A_488 = tpu.vector_load %arg5[%swap3A_487] {strides = array<i32>} : memref<128xi32, #tpu.memory_space<vmem>>, vector<16xi32>,
    %swap3A_489 = vector.shape_cast %swap3A_488 : vector<16xi32> to vector<16xi32>
    %swap3A_490 = vector.shape_cast %add3A_486 : vector<16xi32> to vector<16xi32>
    tpu.vector_store %arg5[%swap3A_487], %swap3A_490 {strides = array<i32>} : memref<128xi32, #tpu.memory_space<vmem>>, vector<16xi32>,
    %dma_start3A_491 = arith.constant 0 : i32
    %dma_start3A_492 = arith.constant 0 : i32
    %dma_start3A_493 = tpu.memref_slice %arg3[%dma_start3A_491, %dma_start3A_492] : memref<32768x128xf32, #tpu.memory_space<hbm>> -> memref<32768x128xf32, #tpu.memory_space<hbm>>
    tpu.enqueue_indirect_dma source(%dma_start3A_493 : memref<32768x128xf32, #tpu.memory_space<hbm>>) target(%arg6 : memref<128x128xf32, #tpu.memory_space<vmem>>) offsets(%arg5 : memref<128xi32, #tpu.memory_space<vmem>>) semaphore(%arg7 : memref<!tpu.dma_semaphore, #tpu.memory_space<semaphore_mem>>)
    %dma_wait3A_494 = arith.constant 0 : i32
    %dma_wait3A_495 = arith.constant 0 : i32
    %dma_wait3A_496 = tpu.memref_slice %arg3[%dma_wait3A_494, %dma_wait3A_495] : memref<32768x128xf32, #tpu.memory_space<hbm>> -> memref<32768x128xf32, #tpu.memory_space<hbm>>
    tpu.wait_indirect_dma semaphore(%arg7 : memref<!tpu.dma_semaphore, #tpu.memory_space<semaphore_mem>>) src(%dma_wait3A_496 : memref<32768x128xf32, #tpu.memory_space<hbm>>) dst(%arg6 : memref<128x128xf32, #tpu.memory_space<vmem>>)
    "tpu.region"() ({
      %run_scoped3A = tpu.sem_alloc : memref<!tpu.dma_semaphore, #tpu.memory_space<semaphore_mem>>
      %dma_start3A_657 = arith.constant 0 : i32
      %dma_start3A_658 = tpu.memref_slice %arg4[%add3A_418, %dma_start3A_657] : memref<32768x128xf32, #tpu.memory_space<hbm>> -> memref<128x128xf32, #tpu.memory_space<hbm>>
      %dma_start3A_659 = arith.constant 0 : i32
      %dma_start3A_660 = tpu.memref_slice %arg4[%add3A_418, %dma_start3A_659] : memref<32768x128xf32, #tpu.memory_space<hbm>> -> memref<128x128xf32, #tpu.memory_space<hbm>>
      tpu.enqueue_dma source(%arg6 : memref<128x128xf32, #tpu.memory_space<vmem>>) target(%dma_start3A_660 : memref<128x128xf32, #tpu.memory_space<hbm>>) target_semaphore(%run_scoped3A : memref<!tpu.dma_semaphore, #tpu.memory_space<semaphore_mem>>)
      %dma_wait3A_661 = arith.constant 0 : i32
      %dma_wait3A_662 = tpu.memref_slice %arg4[%add3A_418, %dma_wait3A_661] : memref<32768x128xf32, #tpu.memory_space<hbm>> -> memref<128x128xf32, #tpu.memory_space<hbm>>
      %dma_wait3A_663 = arith.constant 0 : i32
      %dma_wait3A_664 = tpu.memref_slice %arg4[%add3A_418, %dma_wait3A_663] : memref<32768x128xf32, #tpu.memory_space<hbm>> -> memref<128x128xf32, #tpu.memory_space<hbm>>
      tpu.wait_dma2 semaphore(%run_scoped3A : memref<!tpu.dma_semaphore, #tpu.memory_space<semaphore_mem>>) src(%arg6 : memref<128x128xf32, #tpu.memory_space<vmem>>) dst(%dma_wait3A_664 : memref<128x128xf32, #tpu.memory_space<hbm>>)
      tpu.yield
    }) : () -> ()
    %add3A_497 = arith.constant 768 : i32
    %add3A_498 = arith.addi %mul3A_2, %add3A_497 : i32
    "tpu.region"() ({
      %run_scoped3A = tpu.sem_alloc : memref<!tpu.dma_semaphore, #tpu.memory_space<semaphore_mem>>
      %dma_start3A_657 = tpu.memref_slice %arg2[%add3A_498] : memref<32768xi32, #tpu.memory_space<hbm>> -> memref<128xi32, #tpu.memory_space<hbm>>
      %dma_start3A_658 = tpu.memref_slice %arg2[%add3A_498] : memref<32768xi32, #tpu.memory_space<hbm>> -> memref<128xi32, #tpu.memory_space<hbm>>
      tpu.enqueue_dma source(%dma_start3A_658 : memref<128xi32, #tpu.memory_space<hbm>>) target(%arg5 : memref<128xi32, #tpu.memory_space<vmem>>) target_semaphore(%run_scoped3A : memref<!tpu.dma_semaphore, #tpu.memory_space<semaphore_mem>>)
      %dma_wait3A_659 = tpu.memref_slice %arg2[%add3A_498] : memref<32768xi32, #tpu.memory_space<hbm>> -> memref<128xi32, #tpu.memory_space<hbm>>
      %dma_wait3A_660 = tpu.memref_slice %arg2[%add3A_498] : memref<32768xi32, #tpu.memory_space<hbm>> -> memref<128xi32, #tpu.memory_space<hbm>>
      tpu.wait_dma2 semaphore(%run_scoped3A : memref<!tpu.dma_semaphore, #tpu.memory_space<semaphore_mem>>) src(%dma_wait3A_660 : memref<128xi32, #tpu.memory_space<hbm>>) dst(%arg5 : memref<128xi32, #tpu.memory_space<vmem>>)
      tpu.yield
    }) : () -> ()
    %get3A_499 = arith.constant 0 : index
    %get3A_500 = tpu.vector_load %arg5[%get3A_499] {strides = array<i32>} : memref<128xi32, #tpu.memory_space<vmem>>, vector<16xi32>,
    %get3A_501 = vector.shape_cast %get3A_500 : vector<16xi32> to vector<16xi32>
    %add3A_502 = vector.broadcast %mul3A_20 : i32 to vector<16xi32>
    %add3A_503 = arith.addi %get3A_501, %add3A_502 : vector<16xi32>
    %swap3A_504 = arith.constant 0 : index
    %swap3A_505 = tpu.vector_load %arg5[%swap3A_504] {strides = array<i32>} : memref<128xi32, #tpu.memory_space<vmem>>, vector<16xi32>,
    %swap3A_506 = vector.shape_cast %swap3A_505 : vector<16xi32> to vector<16xi32>
    %swap3A_507 = vector.shape_cast %add3A_503 : vector<16xi32> to vector<16xi32>
    tpu.vector_store %arg5[%swap3A_504], %swap3A_507 {strides = array<i32>} : memref<128xi32, #tpu.memory_space<vmem>>, vector<16xi32>,
    %get3A_508 = arith.constant 16 : index
    %get3A_509 = tpu.vector_load %arg5[%get3A_508] {strides = array<i32>} : memref<128xi32, #tpu.memory_space<vmem>>, vector<16xi32>,
    %get3A_510 = vector.shape_cast %get3A_509 : vector<16xi32> to vector<16xi32>
    %add3A_511 = vector.broadcast %mul3A_20 : i32 to vector<16xi32>
    %add3A_512 = arith.addi %get3A_510, %add3A_511 : vector<16xi32>
    %swap3A_513 = arith.constant 16 : index
    %swap3A_514 = tpu.vector_load %arg5[%swap3A_513] {strides = array<i32>} : memref<128xi32, #tpu.memory_space<vmem>>, vector<16xi32>,
    %swap3A_515 = vector.shape_cast %swap3A_514 : vector<16xi32> to vector<16xi32>
    %swap3A_516 = vector.shape_cast %add3A_512 : vector<16xi32> to vector<16xi32>
    tpu.vector_store %arg5[%swap3A_513], %swap3A_516 {strides = array<i32>} : memref<128xi32, #tpu.memory_space<vmem>>, vector<16xi32>,
    %get3A_517 = arith.constant 32 : index
    %get3A_518 = tpu.vector_load %arg5[%get3A_517] {strides = array<i32>} : memref<128xi32, #tpu.memory_space<vmem>>, vector<16xi32>,
    %get3A_519 = vector.shape_cast %get3A_518 : vector<16xi32> to vector<16xi32>
    %add3A_520 = vector.broadcast %mul3A_20 : i32 to vector<16xi32>
    %add3A_521 = arith.addi %get3A_519, %add3A_520 : vector<16xi32>
    %swap3A_522 = arith.constant 32 : index
    %swap3A_523 = tpu.vector_load %arg5[%swap3A_522] {strides = array<i32>} : memref<128xi32, #tpu.memory_space<vmem>>, vector<16xi32>,
    %swap3A_524 = vector.shape_cast %swap3A_523 : vector<16xi32> to vector<16xi32>
    %swap3A_525 = vector.shape_cast %add3A_521 : vector<16xi32> to vector<16xi32>
    tpu.vector_store %arg5[%swap3A_522], %swap3A_525 {strides = array<i32>} : memref<128xi32, #tpu.memory_space<vmem>>, vector<16xi32>,
    %get3A_526 = arith.constant 48 : index
    %get3A_527 = tpu.vector_load %arg5[%get3A_526] {strides = array<i32>} : memref<128xi32, #tpu.memory_space<vmem>>, vector<16xi32>,
    %get3A_528 = vector.shape_cast %get3A_527 : vector<16xi32> to vector<16xi32>
    %add3A_529 = vector.broadcast %mul3A_20 : i32 to vector<16xi32>
    %add3A_530 = arith.addi %get3A_528, %add3A_529 : vector<16xi32>
    %swap3A_531 = arith.constant 48 : index
    %swap3A_532 = tpu.vector_load %arg5[%swap3A_531] {strides = array<i32>} : memref<128xi32, #tpu.memory_space<vmem>>, vector<16xi32>,
    %swap3A_533 = vector.shape_cast %swap3A_532 : vector<16xi32> to vector<16xi32>
    %swap3A_534 = vector.shape_cast %add3A_530 : vector<16xi32> to vector<16xi32>
    tpu.vector_store %arg5[%swap3A_531], %swap3A_534 {strides = array<i32>} : memref<128xi32, #tpu.memory_space<vmem>>, vector<16xi32>,
    %get3A_535 = arith.constant 64 : index
    %get3A_536 = tpu.vector_load %arg5[%get3A_535] {strides = array<i32>} : memref<128xi32, #tpu.memory_space<vmem>>, vector<16xi32>,
    %get3A_537 = vector.shape_cast %get3A_536 : vector<16xi32> to vector<16xi32>
    %add3A_538 = vector.broadcast %mul3A_20 : i32 to vector<16xi32>
    %add3A_539 = arith.addi %get3A_537, %add3A_538 : vector<16xi32>
    %swap3A_540 = arith.constant 64 : index
    %swap3A_541 = tpu.vector_load %arg5[%swap3A_540] {strides = array<i32>} : memref<128xi32, #tpu.memory_space<vmem>>, vector<16xi32>,
    %swap3A_542 = vector.shape_cast %swap3A_541 : vector<16xi32> to vector<16xi32>
    %swap3A_543 = vector.shape_cast %add3A_539 : vector<16xi32> to vector<16xi32>
    tpu.vector_store %arg5[%swap3A_540], %swap3A_543 {strides = array<i32>} : memref<128xi32, #tpu.memory_space<vmem>>, vector<16xi32>,
    %get3A_544 = arith.constant 80 : index
    %get3A_545 = tpu.vector_load %arg5[%get3A_544] {strides = array<i32>} : memref<128xi32, #tpu.memory_space<vmem>>, vector<16xi32>,
    %get3A_546 = vector.shape_cast %get3A_545 : vector<16xi32> to vector<16xi32>
    %add3A_547 = vector.broadcast %mul3A_20 : i32 to vector<16xi32>
    %add3A_548 = arith.addi %get3A_546, %add3A_547 : vector<16xi32>
    %swap3A_549 = arith.constant 80 : index
    %swap3A_550 = tpu.vector_load %arg5[%swap3A_549] {strides = array<i32>} : memref<128xi32, #tpu.memory_space<vmem>>, vector<16xi32>,
    %swap3A_551 = vector.shape_cast %swap3A_550 : vector<16xi32> to vector<16xi32>
    %swap3A_552 = vector.shape_cast %add3A_548 : vector<16xi32> to vector<16xi32>
    tpu.vector_store %arg5[%swap3A_549], %swap3A_552 {strides = array<i32>} : memref<128xi32, #tpu.memory_space<vmem>>, vector<16xi32>,
    %get3A_553 = arith.constant 96 : index
    %get3A_554 = tpu.vector_load %arg5[%get3A_553] {strides = array<i32>} : memref<128xi32, #tpu.memory_space<vmem>>, vector<16xi32>,
    %get3A_555 = vector.shape_cast %get3A_554 : vector<16xi32> to vector<16xi32>
    %add3A_556 = vector.broadcast %mul3A_20 : i32 to vector<16xi32>
    %add3A_557 = arith.addi %get3A_555, %add3A_556 : vector<16xi32>
    %swap3A_558 = arith.constant 96 : index
    %swap3A_559 = tpu.vector_load %arg5[%swap3A_558] {strides = array<i32>} : memref<128xi32, #tpu.memory_space<vmem>>, vector<16xi32>,
    %swap3A_560 = vector.shape_cast %swap3A_559 : vector<16xi32> to vector<16xi32>
    %swap3A_561 = vector.shape_cast %add3A_557 : vector<16xi32> to vector<16xi32>
    tpu.vector_store %arg5[%swap3A_558], %swap3A_561 {strides = array<i32>} : memref<128xi32, #tpu.memory_space<vmem>>, vector<16xi32>,
    %get3A_562 = arith.constant 112 : index
    %get3A_563 = tpu.vector_load %arg5[%get3A_562] {strides = array<i32>} : memref<128xi32, #tpu.memory_space<vmem>>, vector<16xi32>,
    %get3A_564 = vector.shape_cast %get3A_563 : vector<16xi32> to vector<16xi32>
    %add3A_565 = vector.broadcast %mul3A_20 : i32 to vector<16xi32>
    %add3A_566 = arith.addi %get3A_564, %add3A_565 : vector<16xi32>
    %swap3A_567 = arith.constant 112 : index
    %swap3A_568 = tpu.vector_load %arg5[%swap3A_567] {strides = array<i32>} : memref<128xi32, #tpu.memory_space<vmem>>, vector<16xi32>,
    %swap3A_569 = vector.shape_cast %swap3A_568 : vector<16xi32> to vector<16xi32>
    %swap3A_570 = vector.shape_cast %add3A_566 : vector<16xi32> to vector<16xi32>
    tpu.vector_store %arg5[%swap3A_567], %swap3A_570 {strides = array<i32>} : memref<128xi32, #tpu.memory_space<vmem>>, vector<16xi32>,
    %dma_start3A_571 = arith.constant 0 : i32
    %dma_start3A_572 = arith.constant 0 : i32
    %dma_start3A_573 = tpu.memref_slice %arg3[%dma_start3A_571, %dma_start3A_572] : memref<32768x128xf32, #tpu.memory_space<hbm>> -> memref<32768x128xf32, #tpu.memory_space<hbm>>
    tpu.enqueue_indirect_dma source(%dma_start3A_573 : memref<32768x128xf32, #tpu.memory_space<hbm>>) target(%arg6 : memref<128x128xf32, #tpu.memory_space<vmem>>) offsets(%arg5 : memref<128xi32, #tpu.memory_space<vmem>>) semaphore(%arg7 : memref<!tpu.dma_semaphore, #tpu.memory_space<semaphore_mem>>)
    %dma_wait3A_574 = arith.constant 0 : i32
    %dma_wait3A_575 = arith.constant 0 : i32
    %dma_wait3A_576 = tpu.memref_slice %arg3[%dma_wait3A_574, %dma_wait3A_575] : memref<32768x128xf32, #tpu.memory_space<hbm>> -> memref<32768x128xf32, #tpu.memory_space<hbm>>
    tpu.wait_indirect_dma semaphore(%arg7 : memref<!tpu.dma_semaphore, #tpu.memory_space<semaphore_mem>>) src(%dma_wait3A_576 : memref<32768x128xf32, #tpu.memory_space<hbm>>) dst(%arg6 : memref<128x128xf32, #tpu.memory_space<vmem>>)
    "tpu.region"() ({
      %run_scoped3A = tpu.sem_alloc : memref<!tpu.dma_semaphore, #tpu.memory_space<semaphore_mem>>
      %dma_start3A_657 = arith.constant 0 : i32
      %dma_start3A_658 = tpu.memref_slice %arg4[%add3A_498, %dma_start3A_657] : memref<32768x128xf32, #tpu.memory_space<hbm>> -> memref<128x128xf32, #tpu.memory_space<hbm>>
      %dma_start3A_659 = arith.constant 0 : i32
      %dma_start3A_660 = tpu.memref_slice %arg4[%add3A_498, %dma_start3A_659] : memref<32768x128xf32, #tpu.memory_space<hbm>> -> memref<128x128xf32, #tpu.memory_space<hbm>>
      tpu.enqueue_dma source(%arg6 : memref<128x128xf32, #tpu.memory_space<vmem>>) target(%dma_start3A_660 : memref<128x128xf32, #tpu.memory_space<hbm>>) target_semaphore(%run_scoped3A : memref<!tpu.dma_semaphore, #tpu.memory_space<semaphore_mem>>)
      %dma_wait3A_661 = arith.constant 0 : i32
      %dma_wait3A_662 = tpu.memref_slice %arg4[%add3A_498, %dma_wait3A_661] : memref<32768x128xf32, #tpu.memory_space<hbm>> -> memref<128x128xf32, #tpu.memory_space<hbm>>
      %dma_wait3A_663 = arith.constant 0 : i32
      %dma_wait3A_664 = tpu.memref_slice %arg4[%add3A_498, %dma_wait3A_663] : memref<32768x128xf32, #tpu.memory_space<hbm>> -> memref<128x128xf32, #tpu.memory_space<hbm>>
      tpu.wait_dma2 semaphore(%run_scoped3A : memref<!tpu.dma_semaphore, #tpu.memory_space<semaphore_mem>>) src(%arg6 : memref<128x128xf32, #tpu.memory_space<vmem>>) dst(%dma_wait3A_664 : memref<128x128xf32, #tpu.memory_space<hbm>>)
      tpu.yield
    }) : () -> ()
    %add3A_577 = arith.constant 896 : i32
    %add3A_578 = arith.addi %mul3A_2, %add3A_577 : i32
    "tpu.region"() ({
      %run_scoped3A = tpu.sem_alloc : memref<!tpu.dma_semaphore, #tpu.memory_space<semaphore_mem>>
      %dma_start3A_657 = tpu.memref_slice %arg2[%add3A_578] : memref<32768xi32, #tpu.memory_space<hbm>> -> memref<128xi32, #tpu.memory_space<hbm>>
      %dma_start3A_658 = tpu.memref_slice %arg2[%add3A_578] : memref<32768xi32, #tpu.memory_space<hbm>> -> memref<128xi32, #tpu.memory_space<hbm>>
      tpu.enqueue_dma source(%dma_start3A_658 : memref<128xi32, #tpu.memory_space<hbm>>) target(%arg5 : memref<128xi32, #tpu.memory_space<vmem>>) target_semaphore(%run_scoped3A : memref<!tpu.dma_semaphore, #tpu.memory_space<semaphore_mem>>)
      %dma_wait3A_659 = tpu.memref_slice %arg2[%add3A_578] : memref<32768xi32, #tpu.memory_space<hbm>> -> memref<128xi32, #tpu.memory_space<hbm>>
      %dma_wait3A_660 = tpu.memref_slice %arg2[%add3A_578] : memref<32768xi32, #tpu.memory_space<hbm>> -> memref<128xi32, #tpu.memory_space<hbm>>
      tpu.wait_dma2 semaphore(%run_scoped3A : memref<!tpu.dma_semaphore, #tpu.memory_space<semaphore_mem>>) src(%dma_wait3A_660 : memref<128xi32, #tpu.memory_space<hbm>>) dst(%arg5 : memref<128xi32, #tpu.memory_space<vmem>>)
      tpu.yield
    }) : () -> ()
    %get3A_579 = arith.constant 0 : index
    %get3A_580 = tpu.vector_load %arg5[%get3A_579] {strides = array<i32>} : memref<128xi32, #tpu.memory_space<vmem>>, vector<16xi32>,
    %get3A_581 = vector.shape_cast %get3A_580 : vector<16xi32> to vector<16xi32>
    %add3A_582 = vector.broadcast %mul3A_20 : i32 to vector<16xi32>
    %add3A_583 = arith.addi %get3A_581, %add3A_582 : vector<16xi32>
    %swap3A_584 = arith.constant 0 : index
    %swap3A_585 = tpu.vector_load %arg5[%swap3A_584] {strides = array<i32>} : memref<128xi32, #tpu.memory_space<vmem>>, vector<16xi32>,
    %swap3A_586 = vector.shape_cast %swap3A_585 : vector<16xi32> to vector<16xi32>
    %swap3A_587 = vector.shape_cast %add3A_583 : vector<16xi32> to vector<16xi32>
    tpu.vector_store %arg5[%swap3A_584], %swap3A_587 {strides = array<i32>} : memref<128xi32, #tpu.memory_space<vmem>>, vector<16xi32>,
    %get3A_588 = arith.constant 16 : index
    %get3A_589 = tpu.vector_load %arg5[%get3A_588] {strides = array<i32>} : memref<128xi32, #tpu.memory_space<vmem>>, vector<16xi32>,
    %get3A_590 = vector.shape_cast %get3A_589 : vector<16xi32> to vector<16xi32>
    %add3A_591 = vector.broadcast %mul3A_20 : i32 to vector<16xi32>
    %add3A_592 = arith.addi %get3A_590, %add3A_591 : vector<16xi32>
    %swap3A_593 = arith.constant 16 : index
    %swap3A_594 = tpu.vector_load %arg5[%swap3A_593] {strides = array<i32>} : memref<128xi32, #tpu.memory_space<vmem>>, vector<16xi32>,
    %swap3A_595 = vector.shape_cast %swap3A_594 : vector<16xi32> to vector<16xi32>
    %swap3A_596 = vector.shape_cast %add3A_592 : vector<16xi32> to vector<16xi32>
    tpu.vector_store %arg5[%swap3A_593], %swap3A_596 {strides = array<i32>} : memref<128xi32, #tpu.memory_space<vmem>>, vector<16xi32>,
    %get3A_597 = arith.constant 32 : index
    %get3A_598 = tpu.vector_load %arg5[%get3A_597] {strides = array<i32>} : memref<128xi32, #tpu.memory_space<vmem>>, vector<16xi32>,
    %get3A_599 = vector.shape_cast %get3A_598 : vector<16xi32> to vector<16xi32>
    %add3A_600 = vector.broadcast %mul3A_20 : i32 to vector<16xi32>
    %add3A_601 = arith.addi %get3A_599, %add3A_600 : vector<16xi32>
    %swap3A_602 = arith.constant 32 : index
    %swap3A_603 = tpu.vector_load %arg5[%swap3A_602] {strides = array<i32>} : memref<128xi32, #tpu.memory_space<vmem>>, vector<16xi32>,
    %swap3A_604 = vector.shape_cast %swap3A_603 : vector<16xi32> to vector<16xi32>
    %swap3A_605 = vector.shape_cast %add3A_601 : vector<16xi32> to vector<16xi32>
    tpu.vector_store %arg5[%swap3A_602], %swap3A_605 {strides = array<i32>} : memref<128xi32, #tpu.memory_space<vmem>>, vector<16xi32>,
    %get3A_606 = arith.constant 48 : index
    %get3A_607 = tpu.vector_load %arg5[%get3A_606] {strides = array<i32>} : memref<128xi32, #tpu.memory_space<vmem>>, vector<16xi32>,
    %get3A_608 = vector.shape_cast %get3A_607 : vector<16xi32> to vector<16xi32>
    %add3A_609 = vector.broadcast %mul3A_20 : i32 to vector<16xi32>
    %add3A_610 = arith.addi %get3A_608, %add3A_609 : vector<16xi32>
    %swap3A_611 = arith.constant 48 : index
    %swap3A_612 = tpu.vector_load %arg5[%swap3A_611] {strides = array<i32>} : memref<128xi32, #tpu.memory_space<vmem>>, vector<16xi32>,
    %swap3A_613 = vector.shape_cast %swap3A_612 : vector<16xi32> to vector<16xi32>
    %swap3A_614 = vector.shape_cast %add3A_610 : vector<16xi32> to vector<16xi32>
    tpu.vector_store %arg5[%swap3A_611], %swap3A_614 {strides = array<i32>} : memref<128xi32, #tpu.memory_space<vmem>>, vector<16xi32>,
    %get3A_615 = arith.constant 64 : index
    %get3A_616 = tpu.vector_load %arg5[%get3A_615] {strides = array<i32>} : memref<128xi32, #tpu.memory_space<vmem>>, vector<16xi32>,
    %get3A_617 = vector.shape_cast %get3A_616 : vector<16xi32> to vector<16xi32>
    %add3A_618 = vector.broadcast %mul3A_20 : i32 to vector<16xi32>
    %add3A_619 = arith.addi %get3A_617, %add3A_618 : vector<16xi32>
    %swap3A_620 = arith.constant 64 : index
    %swap3A_621 = tpu.vector_load %arg5[%swap3A_620] {strides = array<i32>} : memref<128xi32, #tpu.memory_space<vmem>>, vector<16xi32>,
    %swap3A_622 = vector.shape_cast %swap3A_621 : vector<16xi32> to vector<16xi32>
    %swap3A_623 = vector.shape_cast %add3A_619 : vector<16xi32> to vector<16xi32>
    tpu.vector_store %arg5[%swap3A_620], %swap3A_623 {strides = array<i32>} : memref<128xi32, #tpu.memory_space<vmem>>, vector<16xi32>,
    %get3A_624 = arith.constant 80 : index
    %get3A_625 = tpu.vector_load %arg5[%get3A_624] {strides = array<i32>} : memref<128xi32, #tpu.memory_space<vmem>>, vector<16xi32>,
    %get3A_626 = vector.shape_cast %get3A_625 : vector<16xi32> to vector<16xi32>
    %add3A_627 = vector.broadcast %mul3A_20 : i32 to vector<16xi32>
    %add3A_628 = arith.addi %get3A_626, %add3A_627 : vector<16xi32>
    %swap3A_629 = arith.constant 80 : index
    %swap3A_630 = tpu.vector_load %arg5[%swap3A_629] {strides = array<i32>} : memref<128xi32, #tpu.memory_space<vmem>>, vector<16xi32>,
    %swap3A_631 = vector.shape_cast %swap3A_630 : vector<16xi32> to vector<16xi32>
    %swap3A_632 = vector.shape_cast %add3A_628 : vector<16xi32> to vector<16xi32>
    tpu.vector_store %arg5[%swap3A_629], %swap3A_632 {strides = array<i32>} : memref<128xi32, #tpu.memory_space<vmem>>, vector<16xi32>,
    %get3A_633 = arith.constant 96 : index
    %get3A_634 = tpu.vector_load %arg5[%get3A_633] {strides = array<i32>} : memref<128xi32, #tpu.memory_space<vmem>>, vector<16xi32>,
    %get3A_635 = vector.shape_cast %get3A_634 : vector<16xi32> to vector<16xi32>
    %add3A_636 = vector.broadcast %mul3A_20 : i32 to vector<16xi32>
    %add3A_637 = arith.addi %get3A_635, %add3A_636 : vector<16xi32>
    %swap3A_638 = arith.constant 96 : index
    %swap3A_639 = tpu.vector_load %arg5[%swap3A_638] {strides = array<i32>} : memref<128xi32, #tpu.memory_space<vmem>>, vector<16xi32>,
    %swap3A_640 = vector.shape_cast %swap3A_639 : vector<16xi32> to vector<16xi32>
    %swap3A_641 = vector.shape_cast %add3A_637 : vector<16xi32> to vector<16xi32>
    tpu.vector_store %arg5[%swap3A_638], %swap3A_641 {strides = array<i32>} : memref<128xi32, #tpu.memory_space<vmem>>, vector<16xi32>,
    %get3A_642 = arith.constant 112 : index
    %get3A_643 = tpu.vector_load %arg5[%get3A_642] {strides = array<i32>} : memref<128xi32, #tpu.memory_space<vmem>>, vector<16xi32>,
    %get3A_644 = vector.shape_cast %get3A_643 : vector<16xi32> to vector<16xi32>
    %add3A_645 = vector.broadcast %mul3A_20 : i32 to vector<16xi32>
    %add3A_646 = arith.addi %get3A_644, %add3A_645 : vector<16xi32>
    %swap3A_647 = arith.constant 112 : index
    %swap3A_648 = tpu.vector_load %arg5[%swap3A_647] {strides = array<i32>} : memref<128xi32, #tpu.memory_space<vmem>>, vector<16xi32>,
    %swap3A_649 = vector.shape_cast %swap3A_648 : vector<16xi32> to vector<16xi32>
    %swap3A_650 = vector.shape_cast %add3A_646 : vector<16xi32> to vector<16xi32>
    tpu.vector_store %arg5[%swap3A_647], %swap3A_650 {strides = array<i32>} : memref<128xi32, #tpu.memory_space<vmem>>, vector<16xi32>,
    %dma_start3A_651 = arith.constant 0 : i32
    %dma_start3A_652 = arith.constant 0 : i32
    %dma_start3A_653 = tpu.memref_slice %arg3[%dma_start3A_651, %dma_start3A_652] : memref<32768x128xf32, #tpu.memory_space<hbm>> -> memref<32768x128xf32, #tpu.memory_space<hbm>>
    tpu.enqueue_indirect_dma source(%dma_start3A_653 : memref<32768x128xf32, #tpu.memory_space<hbm>>) target(%arg6 : memref<128x128xf32, #tpu.memory_space<vmem>>) offsets(%arg5 : memref<128xi32, #tpu.memory_space<vmem>>) semaphore(%arg7 : memref<!tpu.dma_semaphore, #tpu.memory_space<semaphore_mem>>)
    %dma_wait3A_654 = arith.constant 0 : i32
    %dma_wait3A_655 = arith.constant 0 : i32
    %dma_wait3A_656 = tpu.memref_slice %arg3[%dma_wait3A_654, %dma_wait3A_655] : memref<32768x128xf32, #tpu.memory_space<hbm>> -> memref<32768x128xf32, #tpu.memory_space<hbm>>
    tpu.wait_indirect_dma semaphore(%arg7 : memref<!tpu.dma_semaphore, #tpu.memory_space<semaphore_mem>>) src(%dma_wait3A_656 : memref<32768x128xf32, #tpu.memory_space<hbm>>) dst(%arg6 : memref<128x128xf32, #tpu.memory_space<vmem>>)
    "tpu.region"() ({
      %run_scoped3A = tpu.sem_alloc : memref<!tpu.dma_semaphore, #tpu.memory_space<semaphore_mem>>
      %dma_start3A_657 = arith.constant 0 : i32
      %dma_start3A_658 = tpu.memref_slice %arg4[%add3A_578, %dma_start3A_657] : memref<32768x128xf32, #tpu.memory_space<hbm>> -> memref<128x128xf32, #tpu.memory_space<hbm>>
      %dma_start3A_659 = arith.constant 0 : i32
      %dma_start3A_660 = tpu.memref_slice %arg4[%add3A_578, %dma_start3A_659] : memref<32768x128xf32, #tpu.memory_space<hbm>> -> memref<128x128xf32, #tpu.memory_space<hbm>>
      tpu.enqueue_dma source(%arg6 : memref<128x128xf32, #tpu.memory_space<vmem>>) target(%dma_start3A_660 : memref<128x128xf32, #tpu.memory_space<hbm>>) target_semaphore(%run_scoped3A : memref<!tpu.dma_semaphore, #tpu.memory_space<semaphore_mem>>)
      %dma_wait3A_661 = arith.constant 0 : i32
      %dma_wait3A_662 = tpu.memref_slice %arg4[%add3A_578, %dma_wait3A_661] : memref<32768x128xf32, #tpu.memory_space<hbm>> -> memref<128x128xf32, #tpu.memory_space<hbm>>
      %dma_wait3A_663 = arith.constant 0 : i32
      %dma_wait3A_664 = tpu.memref_slice %arg4[%add3A_578, %dma_wait3A_663] : memref<32768x128xf32, #tpu.memory_space<hbm>> -> memref<128x128xf32, #tpu.memory_space<hbm>>
      tpu.wait_dma2 semaphore(%run_scoped3A : memref<!tpu.dma_semaphore, #tpu.memory_space<semaphore_mem>>) src(%arg6 : memref<128x128xf32, #tpu.memory_space<vmem>>) dst(%dma_wait3A_664 : memref<128x128xf32, #tpu.memory_space<hbm>>)
      tpu.yield
    }) : () -> ()
    return
  }
}

module attributes {stable_mosaic.version = 14 : i64} {
  func.func @_rot_reg_kernel(%arg0: i32, %arg1: i32, %arg2: memref<1024x256xf32, #tpu.memory_space<vmem>>, %arg3: memref<1x256x64xf32, #tpu.memory_space<vmem>>, %arg4: memref<256x256xf32, #tpu.memory_space<vmem>>, %arg5: memref<1x1024x64xf32, #tpu.memory_space<vmem>>, %arg6: memref<1x1xf32, #tpu.memory_space<vmem>>) attributes {dimension_semantics = [#tpu.dimension_semantics<arbitrary>, #tpu.dimension_semantics<arbitrary>], iteration_bounds = array<i64: 8, 4>, scalar_prefetch = 0 : i64, scratch_operands = 0 : i64, tpu.core_type = #tpu.core_type<tc>, window_params = [{transform_indices = @transform_0, window_bounds = array<i64: 1024, 256>}, {transform_indices = @transform_1, window_bounds = array<i64: 1, 256, 64>}, {pipeline_mode = #tpu.pipeline_mode<synchronous>, transform_indices = @transform_2, window_bounds = array<i64: 256, 256>}, {transform_indices = @transform_3, window_bounds = array<i64: 1, 1024, 64>}, {pipeline_mode = #tpu.pipeline_mode<synchronous>, transform_indices = @transform_4, window_bounds = array<i64: 1, 1>}]} {
    %get3A = arith.constant 0 : index
    %get3A_0 = arith.constant 0 : index
    %get3A_1 = vector.load %arg2[%get3A, %get3A_0] : memref<1024x256xf32, #tpu.memory_space<vmem>>, vector<1024x256xf32>
    %get3A_2 = arith.constant 0 : index
    %get3A_3 = arith.constant 0 : index
    %get3A_4 = arith.constant 0 : index
    %get3A_5 = vector.load %arg3[%get3A_2, %get3A_3, %get3A_4] : memref<1x256x64xf32, #tpu.memory_space<vmem>>, vector<1x256x64xf32>
    %get3A_6 = vector.shape_cast %get3A_5 : vector<1x256x64xf32> to vector<256x64xf32>
    %dot_general3A = arith.constant dense<0.000000e+00> : vector<1024x64xf32>
    %dot_general3A_7 = tpu.matmul %get3A_1, %get3A_6, %dot_general3A {dimension_numbers = #tpu.dot_dimension_numbers<[1], [0], [0], [1], [0, 0, 1, 1], [], []>, transpose_lhs_hint = false} : vector<1024x256xf32>, vector<256x64xf32>, vector<1024x64xf32> -> vector<1024x64xf32>
    %swap3A = arith.constant 0 : index
    %swap3A_8 = arith.constant 0 : index
    %swap3A_9 = arith.constant 0 : index
    %swap3A_10 = vector.load %arg5[%swap3A, %swap3A_8, %swap3A_9] : memref<1x1024x64xf32, #tpu.memory_space<vmem>>, vector<1x1024x64xf32>
    %swap3A_11 = vector.shape_cast %swap3A_10 : vector<1x1024x64xf32> to vector<1024x64xf32>
    %swap3A_12 = vector.shape_cast %dot_general3A_7 : vector<1024x64xf32> to vector<1x1024x64xf32>
    tpu.vector_store %arg5[%swap3A, %swap3A_8, %swap3A_9], %swap3A_12 {strides = array<i32>} : memref<1x1024x64xf32, #tpu.memory_space<vmem>>, vector<1x1024x64xf32>,
    %eq3A = arith.constant 0 : i32
    %eq3A_13 = arith.cmpi eq, %arg1, %eq3A : i32
    %eq3A_14 = arith.constant 0 : i32
    %eq3A_15 = arith.cmpi eq, %arg0, %eq3A_14 : i32
    %and3A = arith.andi %eq3A_13, %eq3A_15 : i1
    %convert_element_type3A = arith.extui %and3A : i1 to i32
    %cond3A = arith.constant 0 : i32
    %cond3A_16 = arith.cmpi ne, %convert_element_type3A, %cond3A : i32
    scf.if %cond3A_16 {
      %get3A_17 = arith.constant 0 : index
      %get3A_18 = arith.constant 0 : index
      %get3A_19 = vector.load %arg4[%get3A_17, %get3A_18] : memref<256x256xf32, #tpu.memory_space<vmem>>, vector<256x256xf32>
      %dot_general3A_20 = arith.constant dense<0.000000e+00> : vector<256x256xf32>
      %dot_general3A_21 = tpu.matmul %get3A_19, %get3A_19, %dot_general3A_20 {dimension_numbers = #tpu.dot_dimension_numbers<[1], [1], [0], [0], [0, 0, 1, 0], [], []>, transpose_lhs_hint = false} : vector<256x256xf32>, vector<256x256xf32>, vector<256x256xf32> -> vector<256x256xf32>
      %iota3A = tpu.iota {dimensions = array<i32: 0>} : vector<256x256xi32>
      %iota3A_22 = tpu.iota {dimensions = array<i32: 1>} : vector<256x256xi32>
      %add3A = arith.constant 0 : i32
      %add3A_23 = vector.broadcast %add3A : i32 to vector<256x256xi32>
      %add3A_24 = arith.addi %iota3A, %add3A_23 : vector<256x256xi32>
      %eq3A_25 = arith.cmpi eq, %add3A_24, %iota3A_22 : vector<256x256xi32>
      %convert_element_type3A_26 = arith.extui %eq3A_25 : vector<256x256xi1> to vector<256x256xi32>
      %convert_element_type3A_27 = arith.sitofp %convert_element_type3A_26 : vector<256x256xi32> to vector<256x256xf32>
      %sub3A = arith.subf %dot_general3A_21, %convert_element_type3A_27 : vector<256x256xf32>
      %integer_pow3A = arith.mulf %sub3A, %sub3A : vector<256x256xf32>
      %reduce_sum3A = vector.shape_cast %integer_pow3A : vector<256x256xf32> to vector<1x256x256xf32>
      %reduce_sum3A_28 = arith.constant dense<0.000000e+00> : vector<1xf32>
      %reduce_sum3A_29 = vector.multi_reduction <add>, %reduce_sum3A, %reduce_sum3A_28 [1, 2] : vector<1x256x256xf32> to vector<1xf32>
      %reduce_sum3A_30 = vector.shape_cast %reduce_sum3A_29 : vector<1xf32> to vector<1x1x1xf32>
      %reduce_sum3A_31 = vector.extract %reduce_sum3A_30[0, 0, 0] : f32 from vector<1x1x1xf32>
      %div3A = arith.constant 6.553600e+04 : f32
      %div3A_32 = arith.divf %reduce_sum3A_31, %div3A : f32
      %reshape3A = vector.broadcast %div3A_32 : f32 to vector<1x1xf32>
      %swap3A_33 = arith.constant 0 : index
      %swap3A_34 = arith.constant 0 : index
      %swap3A_35 = vector.load %arg6[%swap3A_33, %swap3A_34] : memref<1x1xf32, #tpu.memory_space<vmem>>, vector<1x1xf32>
      tpu.vector_store %arg6[%swap3A_33, %swap3A_34], %reshape3A {strides = array<i32>} : memref<1x1xf32, #tpu.memory_space<vmem>>, vector<1x1xf32>,
    } else {
    }
    return
  }
  func.func @transform_0(%arg0: i32, %arg1: i32) -> (i32, i32) {
    %c0_i32 = arith.constant 0 : i32
    %c0_i32_0 = arith.constant 0 : i32
    return %arg0, %c0_i32 : i32, i32
  }
  func.func @transform_1(%arg0: i32, %arg1: i32) -> (i32, i32, i32) {
    %c0_i32 = arith.constant 0 : i32
    %c0_i32_0 = arith.constant 0 : i32
    %c0_i32_1 = arith.constant 0 : i32
    return %arg1, %c0_i32, %c0_i32_0 : i32, i32, i32
  }
  func.func @transform_2(%arg0: i32, %arg1: i32) -> (i32, i32) {
    %c0_i32 = arith.constant 0 : i32
    %c0_i32_0 = arith.constant 0 : i32
    %c0_i32_1 = arith.constant 0 : i32
    return %c0_i32, %c0_i32_0 : i32, i32
  }
  func.func @transform_3(%arg0: i32, %arg1: i32) -> (i32, i32, i32) {
    %c0_i32 = arith.constant 0 : i32
    %c0_i32_0 = arith.constant 0 : i32
    return %arg1, %arg0, %c0_i32 : i32, i32, i32
  }
  func.func @transform_4(%arg0: i32, %arg1: i32) -> (i32, i32) {
    %c0_i32 = arith.constant 0 : i32
    %c0_i32_0 = arith.constant 0 : i32
    %c0_i32_1 = arith.constant 0 : i32
    return %c0_i32, %c0_i32_0 : i32, i32
  }
}

module attributes {stable_mosaic.version = 14 : i64} {
  func.func @_vq_kernel(%arg0: i32, %arg1: i32, %arg2: memref<1x256x64xf32, #tpu.memory_space<vmem>>, %arg3: memref<1x64x8192xf32, #tpu.memory_space<vmem>>, %arg4: memref<1x8x8192xf32, #tpu.memory_space<vmem>>, %arg5: memref<1x8192x128xbf16, #tpu.memory_space<vmem>>, %arg6: memref<8192x2xbf16, #tpu.memory_space<vmem>>, %arg7: memref<1x1x256xi32, #tpu.memory_space<vmem>>, %arg8: memref<1x256x64xf32, #tpu.memory_space<vmem>>) attributes {dimension_semantics = [#tpu.dimension_semantics<arbitrary>, #tpu.dimension_semantics<arbitrary>], iteration_bounds = array<i64: 4, 32>, scalar_prefetch = 0 : i64, scratch_operands = 0 : i64, tpu.core_type = #tpu.core_type<tc>, window_params = [{transform_indices = @transform_0, window_bounds = array<i64: 1, 256, 64>}, {transform_indices = @transform_1, window_bounds = array<i64: 1, 64, 8192>}, {transform_indices = @transform_2, window_bounds = array<i64: 1, 8, 8192>}, {transform_indices = @transform_3, window_bounds = array<i64: 1, 8192, 128>}, {pipeline_mode = #tpu.pipeline_mode<synchronous>, transform_indices = @transform_4, window_bounds = array<i64: 8192, 2>}, {transform_indices = @transform_5, window_bounds = array<i64: 1, 1, 256>}, {transform_indices = @transform_6, window_bounds = array<i64: 1, 256, 64>}]} {
    %get3A = arith.constant 0 : index
    %get3A_0 = arith.constant 0 : index
    %get3A_1 = arith.constant 0 : index
    %get3A_2 = vector.load %arg2[%get3A, %get3A_0, %get3A_1] : memref<1x256x64xf32, #tpu.memory_space<vmem>>, vector<1x256x64xf32>
    %get3A_3 = vector.shape_cast %get3A_2 : vector<1x256x64xf32> to vector<256x64xf32>
    %get3A_4 = arith.constant 0 : index
    %get3A_5 = arith.constant 0 : index
    %get3A_6 = arith.constant 0 : index
    %get3A_7 = vector.load %arg3[%get3A_4, %get3A_5, %get3A_6] : memref<1x64x8192xf32, #tpu.memory_space<vmem>>, vector<1x64x8192xf32>
    %get3A_8 = vector.shape_cast %get3A_7 : vector<1x64x8192xf32> to vector<64x8192xf32>
    %get3A_9 = arith.constant 0 : index
    %get3A_10 = arith.constant 0 : index
    %get3A_11 = arith.constant 0 : index
    %get3A_12 = vector.load %arg5[%get3A_9, %get3A_10, %get3A_11] : memref<1x8192x128xbf16, #tpu.memory_space<vmem>>, vector<1x8192x128xbf16>
    %get3A_13 = vector.shape_cast %get3A_12 : vector<1x8192x128xbf16> to vector<8192x128xbf16>
    %dot_general3A = arith.constant dense<0.000000e+00> : vector<256x8192xf32>
    %dot_general3A_14 = tpu.matmul %get3A_3, %get3A_8, %dot_general3A {dimension_numbers = #tpu.dot_dimension_numbers<[1], [0], [0], [1], [0, 0, 1, 1], [], []>, transpose_lhs_hint = false} : vector<256x64xf32>, vector<64x8192xf32>, vector<256x8192xf32> -> vector<256x8192xf32>
    %get3A_15 = arith.constant 0 : index
    %get3A_16 = arith.constant 0 : index
    %get3A_17 = arith.constant 0 : index
    %get3A_18 = vector.load %arg4[%get3A_15, %get3A_16, %get3A_17] : memref<1x8x8192xf32, #tpu.memory_space<vmem>>, vector<1x1x8192xf32>
    %get3A_19 = vector.shape_cast %get3A_18 : vector<1x1x8192xf32> to vector<1x8192xf32>
    %add3A = vector.broadcast %get3A_19 : vector<1x8192xf32> to vector<256x8192xf32>
    %add3A_20 = arith.addf %dot_general3A_14, %add3A : vector<256x8192xf32>
    %reduce_max3A = arith.constant dense<0xFF800000> : vector<256xf32>
    %reduce_max3A_21 = vector.multi_reduction <maximumf>, %add3A_20, %reduce_max3A [1] : vector<256x8192xf32> to vector<256xf32>
    %broadcast_in_dim3A = vector.shape_cast %reduce_max3A_21 : vector<256xf32> to vector<256x1xf32>
    %sub3A = vector.broadcast %broadcast_in_dim3A : vector<256x1xf32> to vector<256x8192xf32>
    %sub3A_22 = arith.subf %add3A_20, %sub3A : vector<256x8192xf32>
    %exp3A = math.exp %sub3A_22 : vector<256x8192xf32>
    %convert_element_type3A = arith.truncf %exp3A : vector<256x8192xf32> to vector<256x8192xbf16>
    %dot_general3A_23 = arith.constant dense<0.000000e+00> : vector<256x128xf32>
    %dot_general3A_24 = tpu.matmul %convert_element_type3A, %get3A_13, %dot_general3A_23 {dimension_numbers = #tpu.dot_dimension_numbers<[1], [0], [0], [1], [0, 0, 1, 1], [], []>, transpose_lhs_hint = false} : vector<256x8192xbf16>, vector<8192x128xbf16>, vector<256x128xf32> -> vector<256x128xf32>
    %slice3A = vector.extract_strided_slice %dot_general3A_24 {offsets = [0, 0], sizes = [256, 64], strides = [1, 1]} : vector<256x128xf32> to vector<256x64xf32>
    %slice3A_25 = vector.extract_strided_slice %dot_general3A_24 {offsets = [0, 64], sizes = [256, 1], strides = [1, 1]} : vector<256x128xf32> to vector<256x1xf32>
    %div3A = vector.broadcast %slice3A_25 : vector<256x1xf32> to vector<256x64xf32>
    %div3A_26 = arith.divf %slice3A, %div3A : vector<256x64xf32>
    %swap3A = arith.constant 0 : index
    %swap3A_27 = arith.constant 0 : index
    %swap3A_28 = arith.constant 0 : index
    %swap3A_29 = vector.load %arg8[%swap3A, %swap3A_27, %swap3A_28] : memref<1x256x64xf32, #tpu.memory_space<vmem>>, vector<1x256x64xf32>
    %swap3A_30 = vector.shape_cast %swap3A_29 : vector<1x256x64xf32> to vector<256x64xf32>
    %swap3A_31 = vector.shape_cast %div3A_26 : vector<256x64xf32> to vector<1x256x64xf32>
    tpu.vector_store %arg8[%swap3A, %swap3A_27, %swap3A_28], %swap3A_31 {strides = array<i32>} : memref<1x256x64xf32, #tpu.memory_space<vmem>>, vector<1x256x64xf32>,
    %ge3A = vector.broadcast %broadcast_in_dim3A : vector<256x1xf32> to vector<256x8192xf32>
    %ge3A_32 = arith.cmpf oge, %add3A_20, %ge3A : vector<256x8192xf32>
    %jit3A = arith.constant 1.000000e+00 : f32
    %jit3A_33 = arith.constant 0.000000e+00 : f32
    %broadcast_in_dim3A_34 = vector.broadcast %jit3A : f32 to vector<256x8192xf32>
    %broadcast_in_dim3A_35 = vector.broadcast %jit3A_33 : f32 to vector<256x8192xf32>
    %select_n3A = arith.select %ge3A_32, %broadcast_in_dim3A_34, %broadcast_in_dim3A_35 : vector<256x8192xi1>, vector<256x8192xf32>
    %convert_element_type3A_36 = arith.truncf %select_n3A : vector<256x8192xf32> to vector<256x8192xbf16>
    %get3A_37 = arith.constant 0 : index
    %get3A_38 = arith.constant 0 : index
    %get3A_39 = vector.load %arg6[%get3A_37, %get3A_38] : memref<8192x2xbf16, #tpu.memory_space<vmem>>, vector<8192x2xbf16>
    %dot_general3A_40 = arith.constant dense<0.000000e+00> : vector<256x2xf32>
    %dot_general3A_41 = tpu.matmul %convert_element_type3A_36, %get3A_39, %dot_general3A_40 {dimension_numbers = #tpu.dot_dimension_numbers<[1], [0], [0], [1], [0, 0, 1, 1], [], []>, transpose_lhs_hint = false} : vector<256x8192xbf16>, vector<8192x2xbf16>, vector<256x2xf32> -> vector<256x2xf32>
    %slice3A_42 = vector.extract_strided_slice %dot_general3A_41 {offsets = [0, 0], sizes = [256, 1], strides = [1, 1]} : vector<256x2xf32> to vector<256x1xf32>
    %squeeze3A = vector.shape_cast %slice3A_42 : vector<256x1xf32> to vector<256xf32>
    %mul3A = arith.constant 6.400000e+01 : f32
    %mul3A_43 = vector.broadcast %mul3A : f32 to vector<256xf32>
    %mul3A_44 = arith.mulf %squeeze3A, %mul3A_43 : vector<256xf32>
    %slice3A_45 = vector.extract_strided_slice %dot_general3A_41 {offsets = [0, 1], sizes = [256, 1], strides = [1, 1]} : vector<256x2xf32> to vector<256x1xf32>
    %squeeze3A_46 = vector.shape_cast %slice3A_45 : vector<256x1xf32> to vector<256xf32>
    %add3A_47 = arith.addf %mul3A_44, %squeeze3A_46 : vector<256xf32>
    %convert_element_type3A_48 = arith.fptosi %add3A_47 : vector<256xf32> to vector<256xi32>
    %swap3A_49 = arith.constant 0 : index
    %swap3A_50 = arith.constant 0 : index
    %swap3A_51 = arith.constant 0 : index
    %swap3A_52 = vector.load %arg7[%swap3A_49, %swap3A_50, %swap3A_51] : memref<1x1x256xi32, #tpu.memory_space<vmem>>, vector<1x1x256xi32>
    %swap3A_53 = vector.shape_cast %swap3A_52 : vector<1x1x256xi32> to vector<256xi32>
    %swap3A_54 = vector.shape_cast %convert_element_type3A_48 : vector<256xi32> to vector<1x1x256xi32>
    tpu.vector_store %arg7[%swap3A_49, %swap3A_50, %swap3A_51], %swap3A_54 {strides = array<i32>} : memref<1x1x256xi32, #tpu.memory_space<vmem>>, vector<1x1x256xi32>,
    return
  }
  func.func @transform_0(%arg0: i32, %arg1: i32) -> (i32, i32, i32) {
    %c0_i32 = arith.constant 0 : i32
    %c0_i32_0 = arith.constant 0 : i32
    return %arg0, %arg1, %c0_i32 : i32, i32, i32
  }
  func.func @transform_1(%arg0: i32, %arg1: i32) -> (i32, i32, i32) {
    %c0_i32 = arith.constant 0 : i32
    %c0_i32_0 = arith.constant 0 : i32
    %c0_i32_1 = arith.constant 0 : i32
    return %arg0, %c0_i32, %c0_i32_0 : i32, i32, i32
  }
  func.func @transform_2(%arg0: i32, %arg1: i32) -> (i32, i32, i32) {
    %c0_i32 = arith.constant 0 : i32
    %c0_i32_0 = arith.constant 0 : i32
    %c0_i32_1 = arith.constant 0 : i32
    return %arg0, %c0_i32, %c0_i32_0 : i32, i32, i32
  }
  func.func @transform_3(%arg0: i32, %arg1: i32) -> (i32, i32, i32) {
    %c0_i32 = arith.constant 0 : i32
    %c0_i32_0 = arith.constant 0 : i32
    %c0_i32_1 = arith.constant 0 : i32
    return %arg0, %c0_i32, %c0_i32_0 : i32, i32, i32
  }
  func.func @transform_4(%arg0: i32, %arg1: i32) -> (i32, i32) {
    %c0_i32 = arith.constant 0 : i32
    %c0_i32_0 = arith.constant 0 : i32
    %c0_i32_1 = arith.constant 0 : i32
    return %c0_i32, %c0_i32_0 : i32, i32
  }
  func.func @transform_5(%arg0: i32, %arg1: i32) -> (i32, i32, i32) {
    %c0_i32 = arith.constant 0 : i32
    %c0_i32_0 = arith.constant 0 : i32
    return %arg0, %c0_i32, %arg1 : i32, i32, i32
  }
  func.func @transform_6(%arg0: i32, %arg1: i32) -> (i32, i32, i32) {
    %c0_i32 = arith.constant 0 : i32
    %c0_i32_0 = arith.constant 0 : i32
    return %arg0, %arg1, %c0_i32 : i32, i32, i32
  }
}

module attributes {stable_mosaic.version = 14 : i64} {
  func.func @_loss_kernel(%arg0: i32, %arg1: i32, %arg2: memref<1x2048x64xf32, #tpu.memory_space<vmem>>, %arg3: memref<1x2048x64xf32, #tpu.memory_space<vmem>>, %arg4: memref<1x2048x128xf32, #tpu.memory_space<vmem>>, %arg5: memref<1x1xf32, #tpu.memory_space<vmem>>, %arg6: memref<1x1xf32, #tpu.memory_space<vmem>>, %arg7: memref<3xf32, #tpu.memory_space<smem>>) attributes {dimension_semantics = [#tpu.dimension_semantics<arbitrary>, #tpu.dimension_semantics<arbitrary>], iteration_bounds = array<i64: 4, 4>, scalar_prefetch = 0 : i64, scratch_operands = 1 : i64, tpu.core_type = #tpu.core_type<tc>, window_params = [{transform_indices = @transform_0, window_bounds = array<i64: 1, 2048, 64>}, {transform_indices = @transform_1, window_bounds = array<i64: 1, 2048, 64>}, {transform_indices = @transform_2, window_bounds = array<i64: 1, 2048, 128>}, {pipeline_mode = #tpu.pipeline_mode<synchronous>, transform_indices = @transform_3, window_bounds = array<i64: 1, 1>}, {pipeline_mode = #tpu.pipeline_mode<synchronous>, transform_indices = @transform_4, window_bounds = array<i64: 1, 1>}]} {
    %get3A = arith.constant 0 : index
    %get3A_0 = arith.constant 0 : index
    %get3A_1 = arith.constant 0 : index
    %get3A_2 = vector.load %arg3[%get3A, %get3A_0, %get3A_1] : memref<1x2048x64xf32, #tpu.memory_space<vmem>>, vector<1x2048x64xf32>
    %get3A_3 = vector.shape_cast %get3A_2 : vector<1x2048x64xf32> to vector<2048x64xf32>
    %get3A_4 = arith.constant 0 : index
    %get3A_5 = arith.constant 0 : index
    %get3A_6 = arith.constant 0 : index
    %get3A_7 = vector.load %arg2[%get3A_4, %get3A_5, %get3A_6] : memref<1x2048x64xf32, #tpu.memory_space<vmem>>, vector<1x2048x64xf32>
    %get3A_8 = vector.shape_cast %get3A_7 : vector<1x2048x64xf32> to vector<2048x64xf32>
    %mul3A = arith.constant 5.000000e-01 : f32
    %mul3A_9 = vector.broadcast %mul3A : f32 to vector<2048x64xf32>
    %mul3A_10 = arith.mulf %get3A_8, %mul3A_9 : vector<2048x64xf32>
    %get3A_11 = arith.constant 0 : index
    %get3A_12 = arith.constant 0 : index
    %get3A_13 = arith.constant 0 : index
    %get3A_14 = vector.load %arg4[%get3A_11, %get3A_12, %get3A_13] : memref<1x2048x128xf32, #tpu.memory_space<vmem>>, vector<1x2048x128xf32>
    %get3A_15 = vector.shape_cast %get3A_14 : vector<1x2048x128xf32> to vector<2048x128xf32>
    %slice3A = vector.extract_strided_slice %get3A_15 {offsets = [0, 0], sizes = [2048, 64], strides = [1, 1]} : vector<2048x128xf32> to vector<2048x64xf32>
    %eq3A = arith.constant 0 : i32
    %eq3A_16 = arith.cmpi eq, %arg0, %eq3A : i32
    %eq3A_17 = arith.constant 0 : i32
    %eq3A_18 = arith.cmpi eq, %arg1, %eq3A_17 : i32
    %and3A = arith.andi %eq3A_16, %eq3A_18 : i1
    %convert_element_type3A = arith.extui %and3A : i1 to i32
    %cond3A = arith.constant 0 : i32
    %cond3A_19 = arith.cmpi ne, %convert_element_type3A, %cond3A : i32
    scf.if %cond3A_19 {
      %swap3A_59 = arith.constant 0.000000e+00 : f32
      %swap3A_60 = arith.constant 0 : index
      %swap3A_61 = memref.load %arg7[%swap3A_60] : memref<3xf32, #tpu.memory_space<smem>>
      memref.store %swap3A_59, %arg7[%swap3A_60] : memref<3xf32, #tpu.memory_space<smem>>
      %swap3A_62 = arith.constant 0.000000e+00 : f32
      %swap3A_63 = arith.constant 1 : index
      %swap3A_64 = memref.load %arg7[%swap3A_63] : memref<3xf32, #tpu.memory_space<smem>>
      memref.store %swap3A_62, %arg7[%swap3A_63] : memref<3xf32, #tpu.memory_space<smem>>
      %swap3A_65 = arith.constant 0.000000e+00 : f32
      %swap3A_66 = arith.constant 2 : index
      %swap3A_67 = memref.load %arg7[%swap3A_66] : memref<3xf32, #tpu.memory_space<smem>>
      memref.store %swap3A_65, %arg7[%swap3A_66] : memref<3xf32, #tpu.memory_space<smem>>
    } else {
    }
    %get3A_20 = arith.constant 0 : index
    %get3A_21 = memref.load %arg7[%get3A_20] : memref<3xf32, #tpu.memory_space<smem>>
    %sub3A = arith.subf %mul3A_10, %get3A_3 : vector<2048x64xf32>
    %integer_pow3A = arith.mulf %sub3A, %sub3A : vector<2048x64xf32>
    %reduce_sum3A = vector.shape_cast %integer_pow3A : vector<2048x64xf32> to vector<1x2048x64xf32>
    %reduce_sum3A_22 = arith.constant dense<0.000000e+00> : vector<1xf32>
    %reduce_sum3A_23 = vector.multi_reduction <add>, %reduce_sum3A, %reduce_sum3A_22 [1, 2] : vector<1x2048x64xf32> to vector<1xf32>
    %reduce_sum3A_24 = vector.shape_cast %reduce_sum3A_23 : vector<1xf32> to vector<1x1x1xf32>
    %reduce_sum3A_25 = vector.extract %reduce_sum3A_24[0, 0, 0] : f32 from vector<1x1x1xf32>
    %add3A = arith.addf %get3A_21, %reduce_sum3A_25 : f32
    %swap3A = arith.constant 0 : index
    %swap3A_26 = memref.load %arg7[%swap3A] : memref<3xf32, #tpu.memory_space<smem>>
    memref.store %add3A, %arg7[%swap3A] : memref<3xf32, #tpu.memory_space<smem>>
    %get3A_27 = arith.constant 1 : index
    %get3A_28 = memref.load %arg7[%get3A_27] : memref<3xf32, #tpu.memory_space<smem>>
    %sub3A_29 = arith.subf %mul3A_10, %slice3A : vector<2048x64xf32>
    %integer_pow3A_30 = arith.mulf %sub3A_29, %sub3A_29 : vector<2048x64xf32>
    %reduce_sum3A_31 = vector.shape_cast %integer_pow3A_30 : vector<2048x64xf32> to vector<1x2048x64xf32>
    %reduce_sum3A_32 = arith.constant dense<0.000000e+00> : vector<1xf32>
    %reduce_sum3A_33 = vector.multi_reduction <add>, %reduce_sum3A_31, %reduce_sum3A_32 [1, 2] : vector<1x2048x64xf32> to vector<1xf32>
    %reduce_sum3A_34 = vector.shape_cast %reduce_sum3A_33 : vector<1xf32> to vector<1x1x1xf32>
    %reduce_sum3A_35 = vector.extract %reduce_sum3A_34[0, 0, 0] : f32 from vector<1x1x1xf32>
    %add3A_36 = arith.addf %get3A_28, %reduce_sum3A_35 : f32
    %swap3A_37 = arith.constant 1 : index
    %swap3A_38 = memref.load %arg7[%swap3A_37] : memref<3xf32, #tpu.memory_space<smem>>
    memref.store %add3A_36, %arg7[%swap3A_37] : memref<3xf32, #tpu.memory_space<smem>>
    %get3A_39 = arith.constant 2 : index
    %get3A_40 = memref.load %arg7[%get3A_39] : memref<3xf32, #tpu.memory_space<smem>>
    %sub3A_41 = arith.subf %get3A_3, %slice3A : vector<2048x64xf32>
    %integer_pow3A_42 = arith.mulf %sub3A_41, %sub3A_41 : vector<2048x64xf32>
    %reduce_sum3A_43 = vector.shape_cast %integer_pow3A_42 : vector<2048x64xf32> to vector<1x2048x64xf32>
    %reduce_sum3A_44 = arith.constant dense<0.000000e+00> : vector<1xf32>
    %reduce_sum3A_45 = vector.multi_reduction <add>, %reduce_sum3A_43, %reduce_sum3A_44 [1, 2] : vector<1x2048x64xf32> to vector<1xf32>
    %reduce_sum3A_46 = vector.shape_cast %reduce_sum3A_45 : vector<1xf32> to vector<1x1x1xf32>
    %reduce_sum3A_47 = vector.extract %reduce_sum3A_46[0, 0, 0] : f32 from vector<1x1x1xf32>
    %add3A_48 = arith.addf %get3A_40, %reduce_sum3A_47 : f32
    %swap3A_49 = arith.constant 2 : index
    %swap3A_50 = memref.load %arg7[%swap3A_49] : memref<3xf32, #tpu.memory_space<smem>>
    memref.store %add3A_48, %arg7[%swap3A_49] : memref<3xf32, #tpu.memory_space<smem>>
    %eq3A_51 = arith.constant 3 : i32
    %eq3A_52 = arith.cmpi eq, %arg0, %eq3A_51 : i32
    %eq3A_53 = arith.constant 3 : i32
    %eq3A_54 = arith.cmpi eq, %arg1, %eq3A_53 : i32
    %and3A_55 = arith.andi %eq3A_52, %eq3A_54 : i1
    %convert_element_type3A_56 = arith.extui %and3A_55 : i1 to i32
    %cond3A_57 = arith.constant 0 : i32
    %cond3A_58 = arith.cmpi ne, %convert_element_type3A_56, %cond3A_57 : i32
    scf.if %cond3A_58 {
      %get3A_59 = arith.constant 0 : index
      %get3A_60 = memref.load %arg7[%get3A_59] : memref<3xf32, #tpu.memory_space<smem>>
      %mul3A_61 = arith.constant 1.000000e-01 : f32
      %mul3A_62 = arith.mulf %mul3A_61, %get3A_60 : f32
      %get3A_63 = arith.constant 1 : index
      %get3A_64 = memref.load %arg7[%get3A_63] : memref<3xf32, #tpu.memory_space<smem>>
      %add3A_65 = arith.addf %mul3A_62, %get3A_64 : f32
      %get3A_66 = arith.constant 2 : index
      %get3A_67 = memref.load %arg7[%get3A_66] : memref<3xf32, #tpu.memory_space<smem>>
      %mul3A_68 = arith.constant 1.000000e-01 : f32
      %mul3A_69 = arith.mulf %mul3A_68, %get3A_67 : f32
      %add3A_70 = arith.addf %add3A_65, %mul3A_69 : f32
      %div3A = arith.constant 5.242880e+05 : f32
      %div3A_71 = arith.divf %add3A_70, %div3A : f32
      %get3A_72 = arith.constant 0 : index
      %get3A_73 = arith.constant 0 : index
      %get3A_74 = vector.load %arg5[%get3A_72, %get3A_73] : memref<1x1xf32, #tpu.memory_space<vmem>>, vector<1x1xf32>
      %mul3A_75 = arith.constant 0.00999999977 : f32
      %mul3A_76 = vector.broadcast %mul3A_75 : f32 to vector<1x1xf32>
      %mul3A_77 = arith.mulf %mul3A_76, %get3A_74 : vector<1x1xf32>
      %add3A_78 = vector.broadcast %div3A_71 : f32 to vector<1x1xf32>
      %add3A_79 = arith.addf %add3A_78, %mul3A_77 : vector<1x1xf32>
      %swap3A_80 = arith.constant 0 : index
      %swap3A_81 = arith.constant 0 : index
      %swap3A_82 = vector.load %arg6[%swap3A_80, %swap3A_81] : memref<1x1xf32, #tpu.memory_space<vmem>>, vector<1x1xf32>
      tpu.vector_store %arg6[%swap3A_80, %swap3A_81], %add3A_79 {strides = array<i32>} : memref<1x1xf32, #tpu.memory_space<vmem>>, vector<1x1xf32>,
    } else {
    }
    return
  }
  func.func @transform_0(%arg0: i32, %arg1: i32) -> (i32, i32, i32) {
    %c0_i32 = arith.constant 0 : i32
    %c0_i32_0 = arith.constant 0 : i32
    return %arg0, %arg1, %c0_i32 : i32, i32, i32
  }
  func.func @transform_1(%arg0: i32, %arg1: i32) -> (i32, i32, i32) {
    %c0_i32 = arith.constant 0 : i32
    %c0_i32_0 = arith.constant 0 : i32
    return %arg0, %arg1, %c0_i32 : i32, i32, i32
  }
  func.func @transform_2(%arg0: i32, %arg1: i32) -> (i32, i32, i32) {
    %c0_i32 = arith.constant 0 : i32
    %c0_i32_0 = arith.constant 0 : i32
    return %arg0, %arg1, %c0_i32 : i32, i32, i32
  }
  func.func @transform_3(%arg0: i32, %arg1: i32) -> (i32, i32) {
    %c0_i32 = arith.constant 0 : i32
    %c0_i32_0 = arith.constant 0 : i32
    %c0_i32_1 = arith.constant 0 : i32
    return %c0_i32, %c0_i32_0 : i32, i32
  }
  func.func @transform_4(%arg0: i32, %arg1: i32) -> (i32, i32) {
    %c0_i32 = arith.constant 0 : i32
    %c0_i32_0 = arith.constant 0 : i32
    %c0_i32_1 = arith.constant 0 : i32
    return %c0_i32, %c0_i32_0 : i32, i32
  }
}

</mosaic_0001>

<sc_bundles>
// kernel: kernel.6.cloned.1.call-start
scs
__scs_entry_jumppad:
0x0: {  	(pc) =	sbr.rel $0x88, $3  }
0x1: {  	(tag) =	ssettag $0x0;
	lr =	simm.s32 $0x1  }
0x2: {  	[smem:$0x3F9B] =	sst lr;
	_ =	strace $0xD0000000  }
0x3: {  	_ = 	snop  }
0x4: {  	_ = 	snop  }
0x5: {  	_ = 	snop  }
0x6: {  	_ = 	snop  }
0x7: {  	_ = 	snop  }
__scs_overlays_trampoline_lowered:
0x8: {  	[smem:$0x3FAA] =	sst s0  }
0x9: {  	[smem:$0x3FAB] =	sst s1  }
0xa: {  	[smem:$0x3FAC] =	sst s2  }
0xb: {  	[smem:$0x3FAD] =	sst s3  }
0xc: {  	[smem:$0x3FAE] =	sst s4  }
0xd: {  	[smem:$0x3FAF] =	sst s5  }
0xe: {  	[smem:$0x3FB0] =	sst s6  }
0xf: {  	[smem:$0x3FB1] =	sst s7  }
0x10: {  	[smem:$0x3FB2] =	sst s8  }
0x11: {  	[smem:$0x3FB3] =	sst s9;
	s0 =	simm.s32 @!p0 $0x0  }
0x12: {  	s1 =	sld [smem:$0x3F99];
	s0 =	simm.s32 @p0 $0x1  }
0x13: {  	[smem:$0x3FB4] =	sst s0;
	s0 =	simm.s32 @!p1 $0x0  }
0x14: {  	s2 =	sld [smem:$0x3F98];
	s0 =	simm.s32 @p1 $0x1  }
0x15: {  	[smem:$0x3FB5] =	sst s0;
	s0 =	simm.s32 @!p2 $0x0  }
0x16: {  	s3 =	sld [smem:$0x3FDB];
	s0 =	simm.s32 @p2 $0x1  }
0x17: {  	s4 =	simm.s32 $0x1BF5;
	[smem:$0x3FB7] =	sst s0  }
0x18: {  	s0 =	sld [smem:$0x3F9A];
	_ =	swait.ge [sflag:s4], $0x0  }
0x19: {  	s7 =	sld [smem:$0x3F9B]  }
0x1a: {  	s8 =	sadd.s32 $0xFFFFE003, lr  }
0x1b: {  	s9 =	sadd.s32 $0xFFFFFEF7, lr;
	s5 =	simm.s32 $0xFFFFFFFF;
	p2 =	slt.u32 s8, $0xFFFFF086  }
0x1c: {  	p1 =	slt.u32 s9, $0xF7A;
	s5 =	simm.s32 @!p2 $0x0  }
0x1d: {  	s5 =	simm.s32 @p1 $0x1;
	p0 =	seq.s32 s7, s2  }
0x1e: {  	s7 =	smul.u32 @!p0 $0xF7A, s2;
	p2 =	seq.s32 @!p0 s5, $0x0  }
0x1f: {  	s9 =	smul.u32 $0xF7A, s1;
	s8 =	simm.s32 @!p0 $0x1BF5;
	p2 =	por !p2, p0  }
0x20: {  	[sflag:s8] =	ssyncset.s32 @!p0 $0xFFFFF086;
	s6 =	sadd.s32 @!p0 s3, s7;
	s7 =	simm.s32 @!p0 $0x108  }
0x21: {  	s3 =	sadd.s32 s3, s9;
	s6 =	sadd.s32 @!p0 $0x88, s6;
	s7 =	simm.s32 @p2 $0x1082  }
0x22: {  	[simem:s7], [sflag:s8] =	dma.local @!p0 [hbm:s6], $0xF7A  }
0x23: {  	s9 =	sor.u32 $0xD0000000, s2;
	s6 =	simm.s32 $0x108;
	_ =	swait.ge @!p0 [sflag:s8], $0x0  }
0x24: {  	s3 =	sadd.s32 $0x88, s3;
	s6 =	simm.s32 @!p1 $0x1082;
	[sflag:s4] =	ssyncset.s32 $0xFFFFF086  }
0x25: {  	[simem:s6], [sflag:s4] =	dma.local [hbm:s3], $0xF7A  }
0x26: {  	[smem:$0x3F9B] =	sst s1;
	(tag) =	ssettag s2;
	_ =	strace s9  }
0x27: {  	s1 =	sld [smem:$0x3FAB]  }
0x28: {  	s2 =	sld [smem:$0x3FAC]  }
0x29: {  	s4 =	sld [smem:$0x3FAE]  }
0x2a: {  	p0 =	seq.s32 s5, $0x0;
	s5 =	sld [smem:$0x3FAF]  }
0x2b: {  	s6 =	sld [smem:$0x3FB0]  }
0x2c: {  	s7 =	sld [smem:$0x3FB1]  }
0x2d: {  	s3 =	simm.s32 $0x108;
	s8 =	sld [smem:$0x3FB2]  }
0x2e: {  	s3 =	simm.s32 @!p0 $0x1082;
	s9 =	sld [smem:$0x3FB3]  }
0x2f: {  	lr =	sadd.s32 s0, s3;
	s0 =	sld [smem:$0x3FAA]  }
0x30: {  	s3 =	sld [smem:$0x3FAD]  }
0x31: {  	[smem:$0x3FB6] =	sst s10  }
0x32: {  	s10 =	sld [smem:$0x3FB4];
	_ =	sdelay $0x3  }
0x33: {  	p0 =	seq.s32 s10, $0x1;
	s10 =	sld [smem:$0x3FB6];
	_ =	sdelay $0x3  }
0x34: {  	[smem:$0x3FB6] =	sst s10  }
0x35: {  	s10 =	sld [smem:$0x3FB5];
	_ =	sdelay $0x3  }
0x36: {  	p1 =	seq.s32 s10, $0x1;
	s10 =	sld [smem:$0x3FB6];
	_ =	sdelay $0x3  }
0x37: {  	[smem:$0x3FB6] =	sst s10  }
0x38: {  	s10 =	sld [smem:$0x3FB7]  }
0x39: {  	_ = 	snop;
	(pc) =	sbr.ind lr, $3  }
0x3a: {  	_ = 	snop  }
0x3b: {  	_ = 	snop  }
0x3c: {  	p2 =	seq.s32 s10, $0x1;
	s10 =	sld [smem:$0x3FB6]  }
0x3d: {  	_ =	shalt  }
0x3e: {  	_ =	shalt  }
0x3f: {  	_ =	shalt  }
0x40: {  	_ =	shalt  }
0x41: {  	_ =	shalt  }
0x42: {  	_ =	shalt  }
0x43: {  	_ =	shalt  }
0x44: {  	_ =	shalt  }
0x45: {  	_ =	shalt  }
0x46: {  	_ =	shalt  }
0x47: {  	_ =	shalt  }
0x48: {  	_ =	shalt  }
0x49: {  	_ =	shalt  }
0x4a: {  	_ =	shalt  }
0x4b: {  	_ =	shalt  }
0x4c: {  	_ =	shalt  }
0x4d: {  	_ =	shalt  }
0x4e: {  	_ =	shalt  }
0x4f: {  	_ =	shalt  }
0x50: {  	_ =	shalt  }
0x51: {  	_ =	shalt  }
0x52: {  	_ =	shalt  }
0x53: {  	_ =	shalt  }
0x54: {  	_ =	shalt  }
0x55: {  	_ =	shalt  }
0x56: {  	_ =	shalt  }
0x57: {  	_ =	shalt  }
0x58: {  	_ =	shalt  }
0x59: {  	_ =	shalt  }
0x5a: {  	_ =	shalt  }
0x5b: {  	_ =	shalt  }
0x5c: {  	_ =	shalt  }
0x5d: {  	_ =	shalt  }
0x5e: {  	_ =	shalt  }
0x5f: {  	_ =	shalt  }
0x60: {  	_ =	shalt  }
0x61: {  	_ =	shalt  }
0x62: {  	_ =	shalt  }
0x63: {  	_ =	shalt  }
0x64: {  	_ =	shalt  }
0x65: {  	_ =	shalt  }
0x66: {  	_ =	shalt  }
0x67: {  	_ =	shalt  }
0x68: {  	_ =	shalt  }
0x69: {  	_ =	shalt  }
0x6a: {  	_ =	shalt  }
0x6b: {  	_ =	shalt  }
0x6c: {  	_ =	shalt  }
0x6d: {  	_ =	shalt  }
0x6e: {  	_ =	shalt  }
0x6f: {  	_ =	shalt  }
0x70: {  	_ =	shalt  }
0x71: {  	_ =	shalt  }
0x72: {  	_ =	shalt  }
0x73: {  	_ =	shalt  }
0x74: {  	_ =	shalt  }
0x75: {  	_ =	shalt  }
0x76: {  	_ =	shalt  }
0x77: {  	_ =	shalt  }
0x78: {  	_ =	shalt  }
0x79: {  	_ =	shalt  }
0x7a: {  	_ =	shalt  }
0x7b: {  	_ =	shalt  }
0x7c: {  	_ =	shalt  }
0x7d: {  	_ =	shalt  }
0x7e: {  	_ =	shalt  }
0x7f: {  	_ =	shalt  }
0x80: {  	_ =	shalt  }
0x81: {  	_ =	shalt  }
0x82: {  	_ =	shalt  }
0x83: {  	_ =	shalt  }
0x84: {  	_ =	shalt  }
0x85: {  	_ =	shalt  }
0x86: {  	_ =	shalt  }
0x87: {  	_ =	shalt  }
.Lfunc_end0:
.L_simem_size_0:
called_computation_lowered:
.L_overlay_start_0:
0x88: {  	s2 =	sld [smem:$0x3FD9]  }
0x89: {  	s3 =	sld [smem:$0x3FFE];
	_ =	sdelay $0x1  }
0x8a: {  	s1 =	srdreg.scid  }
0x8b: {  	s0 =	sand.u32 $0x1, s1  }
0x8c: {  	s16 =	sshll.u32 s0, $0xA;
	s2 =	sadd.s32 s3, s2  }
0x8d: {  	s2 =	sadd.s32 s2, s16  }
0x8e: {  	[smem:$0x3FC2] =	sst s2  }
0x8f: {  	_ = 	snop  }
0x90: {  	(tm) =	ssettm $0x1  }
0x91: {  	s17 =	sld [smem:$0x3FFB];
	_ =	sdelay $0x3  }
0x92: {  	_ =	strace s17  }
0x93: {  	s2 =	sld [smem:$0x3FFC];
	_ =	sdelay $0x3  }
0x94: {  	_ =	strace s2  }
0x95: {  	s2 =	sld [smem:$0x3FFD];
	_ =	sdelay $0x3  }
0x96: {  	_ =	strace s2  }
0x97: {  	_ =	strace $0x8FFFFFFF  }
0x98: {  	s18 =	sld [smem:$0x3FDB];
	_ =	sdelay $0x1  }
0x99: {  	s19 =	simm.s32 $_scs_section_size  }
0x9a: {  	s4 =	simm.s32 $_size__tile_overlayer_lowered;
	s5 =	simm.s32 $_tile_overlayer_lowered  }
0x9b: {  	s22 =	simm.s32 $0x1BFF;
	s21 =	sshll.u32 s5, $0x1;
	s2 =	sadd.s32 s19, s18  }
0x9c: {  	s6 =	simm.s32 $0x0;
	s20 =	sshll.u32 s4, $0x1;
	s4 =	sadd.s32 s21, s2  }
0x9d: {  	[timem:s6], [sflag:s22] =	dma.local [hbm:s4], s20  }
0x9e: {  	_ =	swait.ge [sflag:s22], s20  }
0x9f: {  	s3 =	ssub.s32 $0x0, s20;
	[sflag:s22] =	ssyncset.done $0x0  }
0xa0: {  	[sflag:s22] =	ssyncadd.s32 s3;
	_ =	sdelay $0x1  }
0xa1: {  	s23 =	simm.s32 $0x1B8B  }
0xa2: {  	_ =	swait.ge [sflag:s23], $0x1  }
0xa3: {  	[sflag:s23] =	ssyncset.done $0x0  }
0xa4: {  	s25 =	simm.s32 $0x1B8E;
	s24 =	sld [smem:$0x3FFE];
	[sflag:s23] =	ssyncadd.s32 $0xFFFFFFFF  }
0xa5: {  	s26 =	simm.s32 $execute0_lowered;
	[smem:$0x3FD2] =	sst s25  }
0xa6: {  	s4 =	sshll.u32 s26, $0x1;
	_ =	strace $0x80000046;
	[dreg:$0x1] =	wrdreg $0xFFFFFFFF  }
0xa7: {  	s28 =	simm.s32 $_size_execute0_lowered;
	s2 =	sadd.s32 s2, s4;
	[dreg:$0x0] =	wrdreg $0x0  }
0xa8: {  	s4 =	sshll.u32 s28, $0x1;
	[dreg:$0x2] =	wrdreg s2  }
0xa9: {  	[dreg:$0x3] =	wrdreg s4  }
0xaa: {  	[dreg:$0x4] =	wrdreg $0xC0  }
0xab: {  	_ =	task [dreg:s6], $0x5FFFF  }
0xac: {  	[dreg:$0x1] =	wrdreg $0xFFFFFFFF  }
0xad: {  	[dreg:$0x0] =	wrdreg $0x60  }
0xae: {  	[dreg:$0x2] =	wrdreg s24  }
0xaf: {  	[dreg:$0x3] =	wrdreg $0x9  }
0xb0: {  	_ =	task.clear_ibuf [dreg:s6], $0x4FFFF;
	_ =	strace $0x90000046  }
0xb1: {  	s29 =	simm.s32 $0x9;
	_ =	strace $0x80000048  }
0xb2: {  	_ =	swait.ge [sflag:s29], $0x1  }
0xb3: {  	[sflag:s29] =	ssyncadd.s32 $0xFFFFFFFF  }
0xb4: {  	_ =	strace $0x90000048  }
0xb5: {  	_ =	sfence  }
0xb6: {  	s30 =	sld [smem:$0x0];
	_ =	sdelay $0x2  }
0xb7: {  	s31 =	sshll.u32 s1, $0xD;
	s1 =	sshrl.u32 s1, $0x2  }
0xb8: {  	s3 =	sand.u32 $0x4000, s31;
	s1 =	sadd.s32 s1, s30  }
0xb9: {  	s0 =	sor.u32 s3, s0;
	s1 =	sshll.u32 s1, $0x11  }
0xba: {  	s0 =	sor.u32 s1, s0  }
0xbb: {  	s0 =	sadd.s32 $0x8F2B, s0  }
0xbc: {  	[sflag:s0] =	ssyncadd.remote.s32 $0x1  }
0xbd: {  	_ =	sfence.sel $0xFFFF  }
0xbe: {  	[dreg:$0x0] =	wrdreg $0xFFFFFFFF;
	(pc) =	sbr.abs _section_cstart, $3  }
0xbf: {  	[dreg:$0x1] =	wrdreg $0xFFFFFFFF  }
0xc0: {  	_ =	task.clear_ibuf [dreg:s6], $0x2FFFF;
	_ =	strace $0x9FFFFFFF  }
0xc1: {  	(tm) =	ssettm $0x7FFFFFFF  }
tec
execute0_lowered:
.L_overlay_start_1:
0x0: {  	(tag) =	ssettag $0x1  }
0x1: {  	s4 =	rddreg [dreg:$0x0]  }
0x2: {  	s0 =	rddreg [dreg:$0x1];
	s1 =	simm.s32 $0x0;
	s5 =	srdreg.scid  }
0x3: {  	s2 =	stileid.u32;
	[smem:$0x7FF] =	sst s1;
	s18 =	sadd.s32 $0x182C00, s4  }
0x4: {  	s3 =	sadd.s32 $0x102C00, s4;
	s5 =	sand.u32 $0x1, s5;
	s7 =	sshll.u32 s2, $0xB  }
0x5: {  	s19 =	sadd.s32 $0x183C00, s4;
	_ =	strace $0x80000047;
	s6 =	ssub.s32 $0x2, s5  }
0x6: {  	s5 =	sshll.u32 s5, $0xA;
	s21 =	sand.u32 $0x6000, s7;
	s22 =	sshrl.u32 s6, $0x1  }
0x7: {  	s17 =	sor.u32 s5, s7;
	v0 =	vmov s21;
	s21 =	simm.s32 $0x2;
	s20 =	ssub.s32 s6, s22  }
0x8: {  	s23 =	sshrl.u32 s17, $0x3;
	s5 =	sshll.u32 s17, $0x4;
	s24 =	sor.u32 $0x80, s17  }
0x9: {  	s26 =	sor.u32 $0x100, s17;
	s11 =	sor.u32 $0x180, s17;
	s12 =	sor.u32 $0x200, s17  }
0xa: {  	s29 =	sor.u32 $0x280, s17;
	s22 =	sor.u32 $0x300, s17;
	s4 =	sadd.s32 s18, s23  }
0xb: {  	s5 =	sadd.s32 s19, s5;
	s25 =	sshrl.u32 s24, $0x3;
	s8 =	sshll.u32 s24, $0x4  }
0xc: {  	s9 =	sshrl.u32 s26, $0x3;
	s10 =	sshll.u32 s26, $0x4;
	s28 =	sshrl.u32 s11, $0x3  }
0xd: {  	s11 =	sshll.u32 s11, $0x4;
	s13 =	sshrl.u32 s12, $0x3;
	s14 =	sshll.u32 s12, $0x4  }
0xe: {  	s15 =	sshrl.u32 s29, $0x3;
	s16 =	sshll.u32 s29, $0x4;
	s30 =	sshrl.u32 s22, $0x3  }
0xf: {  	s22 =	sshll.u32 s22, $0x4;
	s23 =	sor.u32 $0x380, s17;
	s20 =	smax.u32 s20, $0x1  }
0x10: {  	s6 =	sadd.s32 s18, s25;
	s7 =	sadd.s32 s19, s8;
	s8 =	sadd.s32 s18, s9  }
0x11: {  	s9 =	sadd.s32 s19, s10;
	s10 =	sadd.s32 s18, s28;
	s11 =	sadd.s32 s19, s11  }
0x12: {  	s12 =	sadd.s32 s18, s13;
	s13 =	sadd.s32 s19, s14;
	s14 =	sadd.s32 s18, s15  }
0x13: {  	s15 =	sadd.s32 s19, s16;
	s16 =	sadd.s32 s18, s30;
	s17 =	sadd.s32 s19, s22  }
0x14: {  	s31 =	sshrl.u32 s23, $0x3;
	s23 =	sshll.u32 s23, $0x4;
	s22 =	simm.s32 $0x80  }
0x15: {  	s18 =	sadd.s32 s18, s31;
	s19 =	sadd.s32 s19, s23;
	s23 =	simm.s32 $0x1  }
.LBB2_1:
0x16: {  	[tilespmem:s1], [sflag:$0x2] =	stream.linear.gather [hbm4b:s4+s1], $0x80, $0x38;
	[tilespmem:$0x4080] =	vst v63  }
0x17: {  	_ =	swait.ge [sflag:s21], $0x80  }
0x18: {  	[sflag:s21] =	ssyncset.done $0x0  }
0x19: {  	[sflag:s21] =	ssyncadd.s32 $0xFFFFFF80  }
0x1a: {  	v1 =	vld [tilespmem:$0x0]  }
0x1b: {  	v2 =	vld [tilespmem:$0x10]  }
0x1c: {  	v3 =	vld [tilespmem:$0x20]  }
0x1d: {  	v4 =	vld [tilespmem:$0x30]  }
0x1e: {  	v5 =	vld [tilespmem:$0x40]  }
0x1f: {  	v6 =	vld [tilespmem:$0x50];
	v1 =	vadd.s32 v0, v1  }
0x20: {  	[tilespmem:$0x0] =	vst v1;
	v1 =	vadd.s32 v0, v2;
	v2 =	vld [tilespmem:$0x60]  }
0x21: {  	[tilespmem:$0x10] =	vst v1;
	v1 =	vadd.s32 v0, v3;
	v3 =	vld [tilespmem:$0x70]  }
0x22: {  	[tilespmem:$0x20] =	vst v1;
	v1 =	vadd.s32 v0, v4  }
0x23: {  	[tilespmem:$0x30] =	vst v1;
	v1 =	vadd.s32 v0, v5  }
0x24: {  	[tilespmem:$0x40] =	vst v1;
	v1 =	vadd.s32 v0, v6  }
0x25: {  	[tilespmem:$0x50] =	vst v1;
	v1 =	vadd.s32 v0, v2  }
0x26: {  	[tilespmem:$0x60] =	vst v1;
	v1 =	vadd.s32 v0, v3  }
0x27: {  	[tilespmem:$0x70] =	vst v1  }
0x28: {  	[tilespmem:s22], [sflag:$0x1] =	stream.indirect.gather [hbm4b:s3+s22], $0x80, s1, s22, $0xb8;
	[tilespmem:$0x4080] =	vst v63  }
0x29: {  	_ =	swait.ge [sflag:s23], $0x4000  }
0x2a: {  	[sflag:s23] =	ssyncset.done $0x0  }
0x2b: {  	[sflag:s23] =	ssyncadd.s32 $0xFFFFC000  }
0x2c: {  	[hbm4b:s5+s1] =	stream.linear.scatter [tilespmem:s22], [sflag:$0x2], $0x4000, $0x38;
	[tilespmem:$0x4080] =	vst v63  }
0x2d: {  	_ =	swait.ge [sflag:s21], $0x4000  }
0x2e: {  	[sflag:s21] =	ssyncset.done $0x0  }
0x2f: {  	[sflag:s21] =	ssyncadd.s32 $0xFFFFC000  }
0x30: {  	[tilespmem:s1], [sflag:$0x2] =	stream.linear.gather [hbm4b:s6+s1], $0x80, $0x38;
	[tilespmem:$0x4080] =	vst v63  }
0x31: {  	_ =	swait.ge [sflag:s21], $0x80  }
0x32: {  	[sflag:s21] =	ssyncset.done $0x0  }
0x33: {  	[sflag:s21] =	ssyncadd.s32 $0xFFFFFF80  }
0x34: {  	v1 =	vld [tilespmem:$0x0]  }
0x35: {  	v2 =	vld [tilespmem:$0x10]  }
0x36: {  	v3 =	vld [tilespmem:$0x20]  }
0x37: {  	v43 =	vld [tilespmem:$0x30]  }
0x38: {  	v44 =	vld [tilespmem:$0x40]  }
0x39: {  	v45 =	vld [tilespmem:$0x50];
	v1 =	vadd.s32 v0, v1  }
0x3a: {  	[tilespmem:$0x0] =	vst v1;
	v1 =	vadd.s32 v0, v2;
	v2 =	vld [tilespmem:$0x60]  }
0x3b: {  	[tilespmem:$0x10] =	vst v1;
	v1 =	vadd.s32 v0, v3;
	v3 =	vld [tilespmem:$0x70]  }
0x3c: {  	[tilespmem:$0x20] =	vst v1;
	v1 =	vadd.s32 v0, v43  }
0x3d: {  	[tilespmem:$0x30] =	vst v1;
	v1 =	vadd.s32 v0, v44  }
0x3e: {  	[tilespmem:$0x40] =	vst v1;
	v1 =	vadd.s32 v0, v45  }
0x3f: {  	[tilespmem:$0x50] =	vst v1;
	v1 =	vadd.s32 v0, v2  }
0x40: {  	[tilespmem:$0x60] =	vst v1;
	v1 =	vadd.s32 v0, v3  }
0x41: {  	[tilespmem:$0x70] =	vst v1  }
0x42: {  	[tilespmem:s22], [sflag:$0x1] =	stream.indirect.gather [hbm4b:s3+s22], $0x80, s1, s22, $0xb8;
	[tilespmem:$0x4080] =	vst v63  }
0x43: {  	_ =	swait.ge [sflag:s23], $0x4000  }
0x44: {  	[sflag:s23] =	ssyncset.done $0x0  }
0x45: {  	[sflag:s23] =	ssyncadd.s32 $0xFFFFC000  }
0x46: {  	[hbm4b:s7+s1] =	stream.linear.scatter [tilespmem:s22], [sflag:$0x2], $0x4000, $0x38;
	[tilespmem:$0x4080] =	vst v63  }
0x47: {  	_ =	swait.ge [sflag:s21], $0x4000  }
0x48: {  	[sflag:s21] =	ssyncset.done $0x0  }
0x49: {  	[sflag:s21] =	ssyncadd.s32 $0xFFFFC000  }
0x4a: {  	[tilespmem:s1], [sflag:$0x2] =	stream.linear.gather [hbm4b:s8+s1], $0x80, $0x38;
	[tilespmem:$0x4080] =	vst v63  }
0x4b: {  	_ =	swait.ge [sflag:s21], $0x80  }
0x4c: {  	[sflag:s21] =	ssyncset.done $0x0  }
0x4d: {  	[sflag:s21] =	ssyncadd.s32 $0xFFFFFF80  }
0x4e: {  	v1 =	vld [tilespmem:$0x0]  }
0x4f: {  	v2 =	vld [tilespmem:$0x10]  }
0x50: {  	v3 =	vld [tilespmem:$0x20]  }
0x51: {  	v46 =	vld [tilespmem:$0x30]  }
0x52: {  	v47 =	vld [tilespmem:$0x40]  }
0x53: {  	v48 =	vld [tilespmem:$0x50];
	v1 =	vadd.s32 v0, v1  }
0x54: {  	[tilespmem:$0x0] =	vst v1;
	v1 =	vadd.s32 v0, v2;
	v2 =	vld [tilespmem:$0x60]  }
0x55: {  	[tilespmem:$0x10] =	vst v1;
	v1 =	vadd.s32 v0, v3;
	v3 =	vld [tilespmem:$0x70]  }
0x56: {  	[tilespmem:$0x20] =	vst v1;
	v1 =	vadd.s32 v0, v46  }
0x57: {  	[tilespmem:$0x30] =	vst v1;
	v1 =	vadd.s32 v0, v47  }
0x58: {  	[tilespmem:$0x40] =	vst v1;
	v1 =	vadd.s32 v0, v48  }
0x59: {  	[tilespmem:$0x50] =	vst v1;
	v1 =	vadd.s32 v0, v2  }
0x5a: {  	[tilespmem:$0x60] =	vst v1;
	v1 =	vadd.s32 v0, v3  }
0x5b: {  	[tilespmem:$0x70] =	vst v1  }
0x5c: {  	[tilespmem:s22], [sflag:$0x1] =	stream.indirect.gather [hbm4b:s3+s22], $0x80, s1, s22, $0xb8;
	[tilespmem:$0x4080] =	vst v63  }
0x5d: {  	_ =	swait.ge [sflag:s23], $0x4000  }
0x5e: {  	[sflag:s23] =	ssyncset.done $0x0  }
0x5f: {  	[sflag:s23] =	ssyncadd.s32 $0xFFFFC000  }
0x60: {  	[hbm4b:s9+s1] =	stream.linear.scatter [tilespmem:s22], [sflag:$0x2], $0x4000, $0x38;
	[tilespmem:$0x4080] =	vst v63  }
0x61: {  	_ =	swait.ge [sflag:s21], $0x4000  }
0x62: {  	[sflag:s21] =	ssyncset.done $0x0  }
0x63: {  	[sflag:s21] =	ssyncadd.s32 $0xFFFFC000  }
0x64: {  	[tilespmem:s1], [sflag:$0x2] =	stream.linear.gather [hbm4b:s10+s1], $0x80, $0x38;
	[tilespmem:$0x4080] =	vst v63  }
0x65: {  	_ =	swait.ge [sflag:s21], $0x80  }
0x66: {  	[sflag:s21] =	ssyncset.done $0x0  }
0x67: {  	[sflag:s21] =	ssyncadd.s32 $0xFFFFFF80  }
0x68: {  	v1 =	vld [tilespmem:$0x0]  }
0x69: {  	v2 =	vld [tilespmem:$0x10]  }
0x6a: {  	v3 =	vld [tilespmem:$0x20]  }
0x6b: {  	v49 =	vld [tilespmem:$0x30]  }
0x6c: {  	v50 =	vld [tilespmem:$0x40]  }
0x6d: {  	v51 =	vld [tilespmem:$0x50];
	v1 =	vadd.s32 v0, v1  }
0x6e: {  	[tilespmem:$0x0] =	vst v1;
	v1 =	vadd.s32 v0, v2;
	v2 =	vld [tilespmem:$0x60]  }
0x6f: {  	[tilespmem:$0x10] =	vst v1;
	v1 =	vadd.s32 v0, v3;
	v3 =	vld [tilespmem:$0x70]  }
0x70: {  	[tilespmem:$0x20] =	vst v1;
	v1 =	vadd.s32 v0, v49  }
0x71: {  	[tilespmem:$0x30] =	vst v1;
	v1 =	vadd.s32 v0, v50  }
0x72: {  	[tilespmem:$0x40] =	vst v1;
	v1 =	vadd.s32 v0, v51  }
0x73: {  	[tilespmem:$0x50] =	vst v1;
	v1 =	vadd.s32 v0, v2  }
0x74: {  	[tilespmem:$0x60] =	vst v1;
	v1 =	vadd.s32 v0, v3  }
0x75: {  	[tilespmem:$0x70] =	vst v1  }
0x76: {  	[tilespmem:s22], [sflag:$0x1] =	stream.indirect.gather [hbm4b:s3+s22], $0x80, s1, s22, $0xb8;
	[tilespmem:$0x4080] =	vst v63  }
0x77: {  	_ =	swait.ge [sflag:s23], $0x4000  }
0x78: {  	[sflag:s23] =	ssyncset.done $0x0  }
0x79: {  	[sflag:s23] =	ssyncadd.s32 $0xFFFFC000  }
0x7a: {  	[hbm4b:s11+s1] =	stream.linear.scatter [tilespmem:s22], [sflag:$0x2], $0x4000, $0x38;
	[tilespmem:$0x4080] =	vst v63  }
0x7b: {  	_ =	swait.ge [sflag:s21], $0x4000  }
0x7c: {  	[sflag:s21] =	ssyncset.done $0x0  }
0x7d: {  	[sflag:s21] =	ssyncadd.s32 $0xFFFFC000  }
0x7e: {  	[tilespmem:s1], [sflag:$0x2] =	stream.linear.gather [hbm4b:s12+s1], $0x80, $0x38;
	[tilespmem:$0x4080] =	vst v63  }
0x7f: {  	_ =	swait.ge [sflag:s21], $0x80  }
0x80: {  	[sflag:s21] =	ssyncset.done $0x0  }
0x81: {  	[sflag:s21] =	ssyncadd.s32 $0xFFFFFF80  }
0x82: {  	v1 =	vld [tilespmem:$0x0]  }
0x83: {  	v2 =	vld [tilespmem:$0x10]  }
0x84: {  	v3 =	vld [tilespmem:$0x20]  }
0x85: {  	v52 =	vld [tilespmem:$0x30]  }
0x86: {  	v53 =	vld [tilespmem:$0x40]  }
0x87: {  	v54 =	vld [tilespmem:$0x50];
	v1 =	vadd.s32 v0, v1  }
0x88: {  	[tilespmem:$0x0] =	vst v1;
	v1 =	vadd.s32 v0, v2;
	v2 =	vld [tilespmem:$0x60]  }
0x89: {  	[tilespmem:$0x10] =	vst v1;
	v1 =	vadd.s32 v0, v3;
	v3 =	vld [tilespmem:$0x70]  }
0x8a: {  	[tilespmem:$0x20] =	vst v1;
	v1 =	vadd.s32 v0, v52  }
0x8b: {  	[tilespmem:$0x30] =	vst v1;
	v1 =	vadd.s32 v0, v53  }
0x8c: {  	[tilespmem:$0x40] =	vst v1;
	v1 =	vadd.s32 v0, v54  }
0x8d: {  	[tilespmem:$0x50] =	vst v1;
	v1 =	vadd.s32 v0, v2  }
0x8e: {  	[tilespmem:$0x60] =	vst v1;
	v1 =	vadd.s32 v0, v3  }
0x8f: {  	[tilespmem:$0x70] =	vst v1  }
0x90: {  	[tilespmem:s22], [sflag:$0x1] =	stream.indirect.gather [hbm4b:s3+s22], $0x80, s1, s22, $0xb8;
	[tilespmem:$0x4080] =	vst v63  }
0x91: {  	_ =	swait.ge [sflag:s23], $0x4000  }
0x92: {  	[sflag:s23] =	ssyncset.done $0x0  }
0x93: {  	[sflag:s23] =	ssyncadd.s32 $0xFFFFC000  }
0x94: {  	[hbm4b:s13+s1] =	stream.linear.scatter [tilespmem:s22], [sflag:$0x2], $0x4000, $0x38;
	[tilespmem:$0x4080] =	vst v63  }
0x95: {  	_ =	swait.ge [sflag:s21], $0x4000  }
0x96: {  	[sflag:s21] =	ssyncset.done $0x0  }
0x97: {  	[sflag:s21] =	ssyncadd.s32 $0xFFFFC000  }
0x98: {  	[tilespmem:s1], [sflag:$0x2] =	stream.linear.gather [hbm4b:s14+s1], $0x80, $0x38;
	[tilespmem:$0x4080] =	vst v63  }
0x99: {  	_ =	swait.ge [sflag:s21], $0x80  }
0x9a: {  	[sflag:s21] =	ssyncset.done $0x0  }
0x9b: {  	[sflag:s21] =	ssyncadd.s32 $0xFFFFFF80  }
0x9c: {  	v1 =	vld [tilespmem:$0x0]  }
0x9d: {  	v2 =	vld [tilespmem:$0x10]  }
0x9e: {  	v3 =	vld [tilespmem:$0x20]  }
0x9f: {  	v55 =	vld [tilespmem:$0x30]  }
0xa0: {  	v56 =	vld [tilespmem:$0x40]  }
0xa1: {  	v57 =	vld [tilespmem:$0x50];
	v1 =	vadd.s32 v0, v1  }
0xa2: {  	[tilespmem:$0x0] =	vst v1;
	v1 =	vadd.s32 v0, v2;
	v2 =	vld [tilespmem:$0x60]  }
0xa3: {  	[tilespmem:$0x10] =	vst v1;
	v1 =	vadd.s32 v0, v3;
	v3 =	vld [tilespmem:$0x70]  }
0xa4: {  	[tilespmem:$0x20] =	vst v1;
	v1 =	vadd.s32 v0, v55  }
0xa5: {  	[tilespmem:$0x30] =	vst v1;
	v1 =	vadd.s32 v0, v56  }
0xa6: {  	[tilespmem:$0x40] =	vst v1;
	v1 =	vadd.s32 v0, v57  }
0xa7: {  	[tilespmem:$0x50] =	vst v1;
	v1 =	vadd.s32 v0, v2  }
0xa8: {  	[tilespmem:$0x60] =	vst v1;
	v1 =	vadd.s32 v0, v3  }
0xa9: {  	[tilespmem:$0x70] =	vst v1  }
0xaa: {  	[tilespmem:s22], [sflag:$0x1] =	stream.indirect.gather [hbm4b:s3+s22], $0x80, s1, s22, $0xb8;
	[tilespmem:$0x4080] =	vst v63  }
0xab: {  	_ =	swait.ge [sflag:s23], $0x4000  }
0xac: {  	[sflag:s23] =	ssyncset.done $0x0  }
0xad: {  	[sflag:s23] =	ssyncadd.s32 $0xFFFFC000  }
0xae: {  	[hbm4b:s15+s1] =	stream.linear.scatter [tilespmem:s22], [sflag:$0x2], $0x4000, $0x38;
	[tilespmem:$0x4080] =	vst v63  }
0xaf: {  	_ =	swait.ge [sflag:s21], $0x4000  }
0xb0: {  	[sflag:s21] =	ssyncset.done $0x0  }
0xb1: {  	[sflag:s21] =	ssyncadd.s32 $0xFFFFC000  }
0xb2: {  	[tilespmem:s1], [sflag:$0x2] =	stream.linear.gather [hbm4b:s16+s1], $0x80, $0x38;
	[tilespmem:$0x4080] =	vst v63  }
0xb3: {  	_ =	swait.ge [sflag:s21], $0x80  }
0xb4: {  	[sflag:s21] =	ssyncset.done $0x0  }
0xb5: {  	[sflag:s21] =	ssyncadd.s32 $0xFFFFFF80  }
0xb6: {  	v1 =	vld [tilespmem:$0x0]  }
0xb7: {  	v2 =	vld [tilespmem:$0x10]  }
0xb8: {  	v3 =	vld [tilespmem:$0x20]  }
0xb9: {  	v58 =	vld [tilespmem:$0x30]  }
0xba: {  	v59 =	vld [tilespmem:$0x40]  }
0xbb: {  	v60 =	vld [tilespmem:$0x50];
	v1 =	vadd.s32 v0, v1  }
0xbc: {  	[tilespmem:$0x0] =	vst v1;
	v1 =	vadd.s32 v0, v2;
	v2 =	vld [tilespmem:$0x60]  }
0xbd: {  	[tilespmem:$0x10] =	vst v1;
	v1 =	vadd.s32 v0, v3;
	v3 =	vld [tilespmem:$0x70]  }
0xbe: {  	[tilespmem:$0x20] =	vst v1;
	v1 =	vadd.s32 v0, v58  }
0xbf: {  	[tilespmem:$0x30] =	vst v1;
	v1 =	vadd.s32 v0, v59  }
0xc0: {  	[tilespmem:$0x40] =	vst v1;
	v1 =	vadd.s32 v0, v60  }
0xc1: {  	[tilespmem:$0x50] =	vst v1;
	v1 =	vadd.s32 v0, v2  }
0xc2: {  	[tilespmem:$0x60] =	vst v1;
	v1 =	vadd.s32 v0, v3  }
0xc3: {  	[tilespmem:$0x70] =	vst v1  }
0xc4: {  	[tilespmem:s22], [sflag:$0x1] =	stream.indirect.gather [hbm4b:s3+s22], $0x80, s1, s22, $0xb8;
	[tilespmem:$0x4080] =	vst v63  }
0xc5: {  	_ =	swait.ge [sflag:s23], $0x4000  }
0xc6: {  	[sflag:s23] =	ssyncset.done $0x0  }
0xc7: {  	[sflag:s23] =	ssyncadd.s32 $0xFFFFC000  }
0xc8: {  	[hbm4b:s17+s1] =	stream.linear.scatter [tilespmem:s22], [sflag:$0x2], $0x4000, $0x38;
	[tilespmem:$0x4080] =	vst v63  }
0xc9: {  	_ =	swait.ge [sflag:s21], $0x4000  }
0xca: {  	[sflag:s21] =	ssyncset.done $0x0  }
0xcb: {  	[sflag:s21] =	ssyncadd.s32 $0xFFFFC000  }
0xcc: {  	[tilespmem:s1], [sflag:$0x2] =	stream.linear.gather [hbm4b:s18+s1], $0x80, $0x38;
	[tilespmem:$0x4080] =	vst v63  }
0xcd: {  	_ =	swait.ge [sflag:s21], $0x80  }
0xce: {  	[sflag:s21] =	ssyncset.done $0x0  }
0xcf: {  	[sflag:s21] =	ssyncadd.s32 $0xFFFFFF80  }
0xd0: {  	v1 =	vld [tilespmem:$0x0]  }
0xd1: {  	v2 =	vld [tilespmem:$0x10]  }
0xd2: {  	v3 =	vld [tilespmem:$0x20]  }
0xd3: {  	v61 =	vld [tilespmem:$0x30]  }
0xd4: {  	v62 =	vld [tilespmem:$0x40]  }
0xd5: {  	v63 =	vld [tilespmem:$0x50];
	v1 =	vadd.s32 v0, v1  }
0xd6: {  	[tilespmem:$0x0] =	vst v1;
	v1 =	vadd.s32 v0, v2;
	v2 =	vld [tilespmem:$0x60]  }
0xd7: {  	[tilespmem:$0x10] =	vst v1;
	v1 =	vadd.s32 v0, v3;
	v3 =	vld [tilespmem:$0x70]  }
0xd8: {  	[tilespmem:$0x20] =	vst v1;
	v1 =	vadd.s32 v0, v61  }
0xd9: {  	[tilespmem:$0x30] =	vst v1;
	v1 =	vadd.s32 v0, v62  }
0xda: {  	[tilespmem:$0x40] =	vst v1;
	v1 =	vadd.s32 v0, v63  }
0xdb: {  	[tilespmem:$0x50] =	vst v1;
	v1 =	vadd.s32 v0, v2  }
0xdc: {  	[tilespmem:$0x60] =	vst v1;
	v1 =	vadd.s32 v0, v3  }
0xdd: {  	[tilespmem:$0x70] =	vst v1  }
0xde: {  	[tilespmem:s22], [sflag:$0x1] =	stream.indirect.gather [hbm4b:s3+s22], $0x80, s1, s22, $0xb8;
	[tilespmem:$0x4080] =	vst v63  }
0xdf: {  	_ =	swait.ge [sflag:s23], $0x4000  }
0xe0: {  	p0 =	sne.s32 s20, $0x1;
	[sflag:s23] =	ssyncset.done $0x0  }
.Ltmp0:
0xe1: {  	[sflag:s23] =	ssyncadd.s32 $0xFFFFC000;
	(pc) =	sbr.rel @p0 .LBB2_1-.Ltmp0, $4  }
0xe2: {  	[hbm4b:s19+s1] =	stream.linear.scatter [tilespmem:s22], [sflag:$0x2], $0x4000, $0x38;
	[tilespmem:$0x4080] =	vst v63  }
0xe3: {  	_ =	swait.ge [sflag:s21], $0x4000  }
0xe4: {  	[sflag:s21] =	ssyncset.done $0x0  }
0xe5: {  	s20 =	sadd.s32 $0xFFFFFFFF, s20;
	[sflag:s21] =	ssyncadd.s32 $0xFFFFC000  }
0xe6: {  	_ =	sfence.sel $0x180000  }
0xe7: {  	[bflag:$0x0] =	sbarrier.arrive $0xFFFF  }
0xe8: {  	p0 =	sne.s32 s2, $0x0;
	_ =	strace $0x90000047  }
0xe9: {  	s0 =	sadd.s32 @!p0 $0x100000, s0;
	[bflag:$0x2] =	sbarrier.arrive $0xFFFF  }
0xea: {  	[sflag:s0] =	ssyncadd.tile.s32 @!p0 $0x1;
	_ =	shalt  }
.Lfunc_end2:
_tile_overlayer_lowered:
.L_overlay_start_2:
0xeb: {  	(tag) =	ssettag $0x2  }
0xec: {  	s0 =	rddreg [dreg:$0x0];
	s2 =	stileid.u32  }
0xed: {  	s1 =	rddreg [dreg:$0x1];
	p0 =	sne.s32 s2, $0x0  }
0xee: {  	s3 =	rddreg [dreg:$0x2];
	[bflag:$0x3] =	sbarrier.arrive $0xFFFF;
	s2 =	simm.s32 @!p0 $0x1C02  }
0xef: {  	[timem:s3], [sflag:s2] =	dma.local @!p0 [hbm:s0], s1  }
0xf0: {  	s0 =	simm.s32 @!p0 $0x2  }
0xf1: {  	_ =	swait.ge @!p0 [sflag:s0], s1  }
0xf2: {  	s1 =	ssub.s32 @!p0 $0x0, s1;
	[sflag:s0] =	ssyncset.done @!p0 $0x0  }
0xf3: {  	[sflag:s0] =	ssyncadd.s32 @!p0 s1  }
0xf4: {  	[bflag:$0x3] =	sbarrier.arrive $0xFFFF  }
0xf5: {  	_ =	shalt  }

</sc_bundles>
